<compile_context>
chip_gen: v7x
topology: tpu7x:2x2x1
jax: 0.10.2.dev20260603
libtpu: 0.0.44.dev20260713+nightly
codegen_flags: <defaults>
</compile_context>

<pallas_src>
import dataclasses
import functools

import numpy as np

import jax
import jax.numpy as jnp
from jax import lax
from jax.experimental import pallas as pl
from jax.experimental.pallas import tpu as pltpu
from jax.experimental.pallas import tpu_sc as plsc

N_NODES = 10000
D = 128
DH = D // 2
NC, NS = 2, 16
NW = NC * NS
N_PAD = 10240
CPT = 160
E_PAD = NS * CPT * 128
ROWS_PER_TILE = N_PAD // NS


def _sc_compiler_params():
    cp = pltpu.CompilerParams()
    fields = pltpu.CompilerParams.__dataclass_fields__
    if "needs_layout_passes" in fields:
        cp = dataclasses.replace(cp, needs_layout_passes=False)
    if "use_tc_tiling_on_sc" in fields:
        cp = dataclasses.replace(cp, use_tc_tiling_on_sc=False)
    return cp


def _sc_aggregate(feat2, src2d, dst2d):
    mesh = plsc.VectorSubcoreMesh(core_axis_name="c", subcore_axis_name="s")

    @functools.partial(
        pl.kernel,
        mesh=mesh,
        compiler_params=_sc_compiler_params(),
        out_type=(
            jax.ShapeDtypeStruct((NC, N_PAD, DH), jnp.float32),
            jax.ShapeDtypeStruct((NC, NS, N_PAD), jnp.float32),
        ),
        scratch_types=[
            pltpu.VMEM((CPT, 128), jnp.int32),
            pltpu.VMEM((CPT, 128), jnp.int32),
            pltpu.VMEM((128, DH), jnp.float32),
            pltpu.VMEM((128, DH), jnp.float32),
            pltpu.VMEM((128, DH), jnp.float32),
            pltpu.VMEM((128, DH), jnp.float32),
            pltpu.VMEM((N_PAD,), jnp.float32),
            pltpu.VMEM_SHARED((N_PAD, DH), jnp.float32),
            pltpu.SemaphoreType.DMA,
            pltpu.SemaphoreType.DMA,
            pltpu.SemaphoreType.DMA,
            pltpu.SemaphoreType.DMA,
            pltpu.SemaphoreType.DMA,
            pltpu.SemaphoreType.DMA,
            pltpu.SemaphoreType.DMA,
            pltpu.SemaphoreType.DMA,
        ],
    )
    def agg(feat_h, src_h, dst_h, p_out, deg_out,
            src_v, dst_v, r0, r1, r2, r3, deg_v, acc_sh,
            g0, g1, g2, g3, t0, t1, t2, t3):
        c = lax.axis_index("c")
        s = lax.axis_index("s")
        zeros16 = jnp.zeros((16,), jnp.float32)
        ones16 = jnp.ones((16,), jnp.float32)

        ebase = s * CPT
        pltpu.async_copy(src_h.at[pl.ds(ebase, CPT)], src_v, g0)
        pltpu.async_copy(dst_h.at[pl.ds(ebase, CPT)], dst_v, g1)

        @pl.loop(0, N_PAD // 16)
        def _(i):
            deg_v[pl.ds(i * 16, 16)] = zeros16

        @pl.loop(0, 128)
        def _(r):
            @pl.loop(0, DH // 16)
            def _(k):
                r0[r, pl.ds(k * 16, 16)] = zeros16

        nbase = s * ROWS_PER_TILE

        @pl.loop(0, ROWS_PER_TILE // 128)
        def _(i):
            pltpu.sync_copy(r0, acc_sh.at[pl.ds(nbase + i * 128, 128)])

        plsc.subcore_barrier()

        pltpu.make_async_copy(src_h.at[pl.ds(ebase, CPT)], src_v, g0).wait()
        pltpu.make_async_copy(dst_h.at[pl.ds(ebase, CPT)], dst_v, g1).wait()

        def _deg_update(j):
            @pl.when(jnp.where(c == 0, j < CPT // 2, j >= CPT // 2))
            def _():
                @pl.loop(0, 128 // 16)
                def _(k):
                    idx16 = dst_v[j, pl.ds(k * 16, 16)]
                    plsc.addupdate_scatter(deg_v, [idx16], ones16)

        fb = feat_h.at[c]
        bufs = (r0, r1, r2, r3)
        gsem = (g0, g1, g2, g3)
        tsem = (t0, t1, t2, t3)
        NBUF = 4

        for b in range(NBUF):
            pltpu.async_copy(fb.at[src_v.at[b]], bufs[b], gsem[b])

        @pl.loop(0, CPT // NBUF)
        def _(q):
            base = q * NBUF
            for b in range(NBUF):
                j = base + b
                pltpu.make_async_copy(fb.at[src_v.at[j]], bufs[b], gsem[b]).wait()
                pltpu.async_copy(bufs[b], acc_sh.at[dst_v.at[j]], tsem[b],
                                 add=True)
                _deg_update(j)
            for b in range(NBUF):
                j = base + b

                @pl.when(j + NBUF < CPT)
                def _():
                    pltpu.make_async_copy(bufs[b], acc_sh.at[dst_v.at[j]],
                                          tsem[b]).wait()
                    pltpu.async_copy(fb.at[src_v.at[j + NBUF]], bufs[b], gsem[b])

        for b in range(NBUF):
            j = CPT - NBUF + b
            pltpu.make_async_copy(bufs[b], acc_sh.at[dst_v.at[j]],
                                  tsem[b]).wait()

        plsc.subcore_barrier()

        pltpu.sync_copy(acc_sh.at[pl.ds(nbase, ROWS_PER_TILE)],
                        p_out.at[c, pl.ds(nbase, ROWS_PER_TILE)])
        pltpu.sync_copy(deg_v, deg_out.at[c, s])

    return agg(feat2, src2d, dst2d)


def _tc_self(feat, W_self, b_self, b_neigh):
    blk = 2000
    dn = (((1,), (1,)), ((), ()))

    def body(feat_b, ws_b, bs_b, bn_b, out_b):
        out_b[...] = (
            lax.dot_general(feat_b[...], ws_b[...], dn,
                            preferred_element_type=jnp.float32)
            + bs_b[...] + bn_b[...]
        )

    return pl.pallas_call(
        body,
        grid=(N_NODES // blk,),
        in_specs=[
            pl.BlockSpec((blk, D), lambda i: (i, 0)),
            pl.BlockSpec((D, D), lambda i: (0, 0)),
            pl.BlockSpec((1, D), lambda i: (0, 0)),
            pl.BlockSpec((1, D), lambda i: (0, 0)),
        ],
        out_specs=pl.BlockSpec((blk, D), lambda i: (i, 0)),
        out_shape=jax.ShapeDtypeStruct((N_NODES, D), jnp.float32),
    )(feat, W_self, b_self.reshape(1, D), b_neigh.reshape(1, D))


def _tc_neigh(selfpart, p0, p1, deg_t, Wn0, Wn1):
    blk = 2000
    dn = (((1,), (1,)), ((), ()))

    def body(sp_b, p0_b, p1_b, deg_b, wn0_b, wn1_b, out_b):
        deg = jnp.sum(deg_b[...], axis=1, keepdims=True)
        scale = jnp.where(deg > 0.0, 1.0 / jnp.maximum(deg, 1.0), 0.0)
        h0 = p0_b[...] * scale
        h1 = p1_b[...] * scale
        out_b[...] = (
            sp_b[...]
            + lax.dot_general(h0, wn0_b[...], dn,
                              preferred_element_type=jnp.float32)
            + lax.dot_general(h1, wn1_b[...], dn,
                              preferred_element_type=jnp.float32)
        )

    return pl.pallas_call(
        body,
        grid=(N_NODES // blk,),
        in_specs=[
            pl.BlockSpec((blk, D), lambda i: (i, 0)),
            pl.BlockSpec((blk, DH), lambda i: (i, 0)),
            pl.BlockSpec((blk, DH), lambda i: (i, 0)),
            pl.BlockSpec((blk, NW), lambda i: (i, 0)),
            pl.BlockSpec((D, DH), lambda i: (0, 0)),
            pl.BlockSpec((D, DH), lambda i: (0, 0)),
        ],
        out_specs=pl.BlockSpec((blk, D), lambda i: (i, 0)),
        out_shape=jax.ShapeDtypeStruct((N_NODES, D), jnp.float32),
    )(selfpart, p0, p1, deg_t, Wn0, Wn1)


def kernel(feat, edge_index, W_self, b_self, W_neigh, b_neigh):
    pad = E_PAD - edge_index.shape[1]
    pad_block = np.stack([
        np.zeros((pad,), np.int32),
        (N_NODES + np.arange(pad, dtype=np.int32) % (N_PAD - N_NODES)),
    ])
    ei = jnp.concatenate([edge_index, jnp.asarray(pad_block)], axis=1)
    ei = ei.reshape(2, CPT, NS, 128).transpose(0, 2, 1, 3).reshape(
        2, E_PAD // 128, 128)
    src_p = ei[0]
    dst_p = ei[1]

    feat2 = feat.reshape(N_NODES, 2, DH).transpose(1, 0, 2)
    selfpart = _tc_self(feat, W_self, b_self, b_neigh)
    p, degp = _sc_aggregate(feat2, src_p, dst_p)
    deg_t = degp.reshape(NW, N_PAD).transpose(1, 0)
    return _tc_neigh(selfpart, p[0], p[1], deg_t,
                     W_neigh[:, :DH], W_neigh[:, DH:])

# --- scband reference (transcript-rebuilt; emitter-appended) ---
"""Pipeline reference for scband-div-feat-conv-12790412607512 (READ-ONLY COPY).

The authoritative reference and input builder live on the scoring server;
editing this copy changes nothing except your own understanding.
"""

import jax, jax.numpy as jnp
import numpy as np

N_NODES = 10000
N_EDGES = 320000
D_IN = 128
D_OUT = 128


def setup_inputs(seed: int = 0) -> dict:
    key = jax.random.key(seed)
    k1, k2, k3, k4, k5, k6 = jax.random.split(key, 6)
    feat = jax.random.normal(k1, (N_NODES, D_IN), dtype=jnp.float32)
    edge_index = jax.random.randint(k2, (2, N_EDGES), 0, N_NODES, dtype=jnp.int32)
    s_in = 1.0 / np.sqrt(D_IN)
    W_self = jax.random.uniform(k3, (D_OUT, D_IN), dtype=jnp.float32, minval=-s_in, maxval=s_in)
    b_self = jax.random.uniform(k4, (D_OUT,), dtype=jnp.float32, minval=-s_in, maxval=s_in)
    W_neigh = jax.random.uniform(k5, (D_OUT, D_IN), dtype=jnp.float32, minval=-s_in, maxval=s_in)
    b_neigh = jax.random.uniform(k6, (D_OUT,), dtype=jnp.float32, minval=-s_in, maxval=s_in)
    return {"feat": feat, "edge_index": edge_index, "W_self": W_self, "b_self": b_self, "W_neigh": W_neigh, "b_neigh": b_neigh}


def reference(feat, edge_index, W_self, b_self, W_neigh, b_neigh):
    # DGL update_all(copy_u('h','m'), mean('m','neigh')):
    # gather source node features along edges, mean-reduce by destination node.
    src = edge_index[0]
    dst = edge_index[1]
    msgs = jnp.take(feat, src, axis=0)  # gather: [E, D_IN]
    neigh_sum = jax.ops.segment_sum(msgs, dst, num_segments=feat.shape[0])
    deg = jax.ops.segment_sum(jnp.ones((msgs.shape[0],), dtype=feat.dtype), dst, num_segments=feat.shape[0])
    h_neigh = jnp.where(deg[:, None] > 0, neigh_sum / jnp.maximum(deg, 1.0)[:, None], 0.0)
    # rst = fc_self(h_dst) + fc_neigh(h_neigh); activation is identity (None)
    rst = feat @ W_self.T + b_self + h_neigh @ W_neigh.T + b_neigh
    return rst

if __name__ == "__main__":
    import jax
    _d = setup_inputs()
    print(jax.jit(kernel)(*tuple(_d.values())))

</pallas_src>

<mosaic_0001>
#map = affine_map<(d0, d1) -> (0, 0, 0)>
#map1 = affine_map<(d0, d1) -> (0, 0)>
module attributes {stable_mosaic.version = 14 : i64} {
  func.func @agg(%arg0: i32, %arg1: i32, %arg2: memref<2x10000x64xf32, #tpu.memory_space<hbm>>, %arg3: memref<2560x128xi32, #tpu.memory_space<hbm>>, %arg4: memref<2560x128xi32, #tpu.memory_space<hbm>>, %arg5: memref<2x10240x64xf32, #tpu.memory_space<hbm>>, %arg6: memref<2x16x10240xf32, #tpu.memory_space<hbm>>, %arg7: memref<160x128xi32, #tpu.memory_space<vmem>>, %arg8: memref<160x128xi32, #tpu.memory_space<vmem>>, %arg9: memref<128x64xf32, #tpu.memory_space<vmem>>, %arg10: memref<128x64xf32, #tpu.memory_space<vmem>>, %arg11: memref<128x64xf32, #tpu.memory_space<vmem>>, %arg12: memref<128x64xf32, #tpu.memory_space<vmem>>, %arg13: memref<10240xf32, #tpu.memory_space<vmem>>, %arg14: memref<10240x64xf32, #tpu.memory_space<vmem_shared>>, %arg15: memref<!tpu.dma_semaphore, #tpu.memory_space<semaphore_mem>>, %arg16: memref<!tpu.dma_semaphore, #tpu.memory_space<semaphore_mem>>, %arg17: memref<!tpu.dma_semaphore, #tpu.memory_space<semaphore_mem>>, %arg18: memref<!tpu.dma_semaphore, #tpu.memory_space<semaphore_mem>>, %arg19: memref<!tpu.dma_semaphore, #tpu.memory_space<semaphore_mem>>, %arg20: memref<!tpu.dma_semaphore, #tpu.memory_space<semaphore_mem>>, %arg21: memref<!tpu.dma_semaphore, #tpu.memory_space<semaphore_mem>>, %arg22: memref<!tpu.dma_semaphore, #tpu.memory_space<semaphore_mem>>) attributes {dimension_semantics = [#tpu.dimension_semantics<core_parallel>, #tpu.dimension_semantics<subcore_parallel>], iteration_bounds = array<i64: 2, 16>, scalar_prefetch = 0 : i64, scratch_operands = 16 : i64, tpu.core_type = #tpu.core_type<sc_vector_subcore>, window_params = [{transform_indices = #map}, {transform_indices = #map1}, {transform_indices = #map1}, {transform_indices = #map}, {transform_indices = #map}]} {
    %broadcast_in_dim3A = arith.constant 0.000000e+00 : f32
    %broadcast_in_dim3A_0 = vector.broadcast %broadcast_in_dim3A : f32 to vector<16xf32>
    %broadcast_in_dim3A_1 = arith.constant 1.000000e+00 : f32
    %broadcast_in_dim3A_2 = vector.broadcast %broadcast_in_dim3A_1 : f32 to vector<16xf32>
    %mul3A = arith.constant 160 : i32
    %mul3A_3 = arith.muli %arg1, %mul3A : i32
    %dma_start3A = arith.constant 0 : i32
    %dma_start3A_4 = tpu.memref_slice %arg3[%mul3A_3, %dma_start3A] : memref<2560x128xi32, #tpu.memory_space<hbm>> -> memref<160x128xi32, #tpu.memory_space<hbm>>
    %dma_start3A_5 = arith.constant 0 : i32
    %dma_start3A_6 = tpu.memref_slice %arg3[%mul3A_3, %dma_start3A_5] : memref<2560x128xi32, #tpu.memory_space<hbm>> -> memref<160x128xi32, #tpu.memory_space<hbm>>
    tpu.enqueue_dma source(%dma_start3A_6 : memref<160x128xi32, #tpu.memory_space<hbm>>) target(%arg7 : memref<160x128xi32, #tpu.memory_space<vmem>>) target_semaphore(%arg15 : memref<!tpu.dma_semaphore, #tpu.memory_space<semaphore_mem>>)
    %dma_start3A_7 = arith.constant 0 : i32
    %dma_start3A_8 = tpu.memref_slice %arg4[%mul3A_3, %dma_start3A_7] : memref<2560x128xi32, #tpu.memory_space<hbm>> -> memref<160x128xi32, #tpu.memory_space<hbm>>
    %dma_start3A_9 = arith.constant 0 : i32
    %dma_start3A_10 = tpu.memref_slice %arg4[%mul3A_3, %dma_start3A_9] : memref<2560x128xi32, #tpu.memory_space<hbm>> -> memref<160x128xi32, #tpu.memory_space<hbm>>
    tpu.enqueue_dma source(%dma_start3A_10 : memref<160x128xi32, #tpu.memory_space<hbm>>) target(%arg8 : memref<160x128xi32, #tpu.memory_space<vmem>>) target_semaphore(%arg16 : memref<!tpu.dma_semaphore, #tpu.memory_space<semaphore_mem>>)
    %scan3A = arith.constant 0 : i32
    %scan3A_11 = arith.constant 640 : i32
    %scan3A_12 = arith.addi %scan3A, %scan3A_11 : i32
    %scan3A_13 = arith.constant 1 : i32
    scf.for %scan3A_112 = %scan3A to %scan3A_12 step %scan3A_13  : i32 {
      %mul3A_113 = arith.constant 1 : i32
      %mul3A_114 = arith.muli %scan3A_112, %mul3A_113 : i32
      %add3A = arith.constant 0 : i32
      %add3A_115 = arith.addi %add3A, %mul3A_114 : i32
      %mul3A_116 = arith.constant 16 : i32
      %mul3A_117 = arith.muli %add3A_115, %mul3A_116 : i32
      %swap3A = arith.index_cast %mul3A_117 : i32 to index
      %swap3A_118 = tpu.vector_load %arg13[%swap3A] {strides = array<i32>} : memref<10240xf32, #tpu.memory_space<vmem>>, vector<16xf32>,
      tpu.vector_store %arg13[%swap3A], %broadcast_in_dim3A_0 {strides = array<i32>} : memref<10240xf32, #tpu.memory_space<vmem>>, vector<16xf32>,
    }
    %scan3A_14 = arith.constant 640 : i32
    %scan3A_15 = arith.constant 0 : i32
    %scan3A_16 = arith.constant 128 : i32
    %scan3A_17 = arith.addi %scan3A_15, %scan3A_16 : i32
    %scan3A_18 = arith.constant 1 : i32
    scf.for %scan3A_112 = %scan3A_15 to %scan3A_17 step %scan3A_18  : i32 {
      %mul3A_113 = arith.constant 1 : i32
      %mul3A_114 = arith.muli %scan3A_112, %mul3A_113 : i32
      %add3A = arith.constant 0 : i32
      %add3A_115 = arith.addi %add3A, %mul3A_114 : i32
      %scan3A_116 = arith.constant 0 : i32
      %scan3A_117 = arith.constant 4 : i32
      %scan3A_118 = arith.addi %scan3A_116, %scan3A_117 : i32
      %scan3A_119 = arith.constant 1 : i32
      scf.for %scan3A_121 = %scan3A_116 to %scan3A_118 step %scan3A_119  : i32 {
        %mul3A_122 = arith.constant 1 : i32
        %mul3A_123 = arith.muli %scan3A_121, %mul3A_122 : i32
        %add3A_124 = arith.constant 0 : i32
        %add3A_125 = arith.addi %add3A_124, %mul3A_123 : i32
        %mul3A_126 = arith.constant 16 : i32
        %mul3A_127 = arith.muli %add3A_125, %mul3A_126 : i32
        %swap3A = arith.index_cast %add3A_115 : i32 to index
        %swap3A_128 = arith.index_cast %mul3A_127 : i32 to index
        %swap3A_129 = tpu.vector_load %arg9[%swap3A, %swap3A_128] {strides = array<i32>} : memref<128x64xf32, #tpu.memory_space<vmem>>, vector<16xf32>,
        tpu.vector_store %arg9[%swap3A, %swap3A_128], %broadcast_in_dim3A_0 {strides = array<i32>} : memref<128x64xf32, #tpu.memory_space<vmem>>, vector<16xf32>,
      }
      %scan3A_120 = arith.constant 4 : i32
    }
    %scan3A_19 = arith.constant 128 : i32
    %mul3A_20 = arith.constant 640 : i32
    %mul3A_21 = arith.muli %arg1, %mul3A_20 : i32
    %scan3A_22 = arith.constant 0 : i32
    %scan3A_23 = arith.constant 5 : i32
    %scan3A_24 = arith.addi %scan3A_22, %scan3A_23 : i32
    %scan3A_25 = arith.constant 1 : i32
    scf.for %scan3A_112 = %scan3A_22 to %scan3A_24 step %scan3A_25  : i32 {
      %mul3A_113 = arith.constant 1 : i32
      %mul3A_114 = arith.muli %scan3A_112, %mul3A_113 : i32
      %add3A = arith.constant 0 : i32
      %add3A_115 = arith.addi %add3A, %mul3A_114 : i32
      %mul3A_116 = arith.constant 128 : i32
      %mul3A_117 = arith.muli %add3A_115, %mul3A_116 : i32
      %add3A_118 = arith.addi %mul3A_21, %mul3A_117 : i32
      "tpu.region"() ({
        %run_scoped3A = tpu.sem_alloc : memref<!tpu.dma_semaphore, #tpu.memory_space<semaphore_mem>>
        %dma_start3A_119 = arith.constant 0 : i32
        %dma_start3A_120 = tpu.memref_slice %arg14[%add3A_118, %dma_start3A_119] : memref<10240x64xf32, #tpu.memory_space<vmem_shared>> -> memref<128x64xf32, #tpu.memory_space<vmem_shared>>
        %dma_start3A_121 = arith.constant 0 : i32
        %dma_start3A_122 = tpu.memref_slice %arg14[%add3A_118, %dma_start3A_121] : memref<10240x64xf32, #tpu.memory_space<vmem_shared>> -> memref<128x64xf32, #tpu.memory_space<vmem_shared>>
        tpu.enqueue_dma source(%arg9 : memref<128x64xf32, #tpu.memory_space<vmem>>) target(%dma_start3A_122 : memref<128x64xf32, #tpu.memory_space<vmem_shared>>) target_semaphore(%run_scoped3A : memref<!tpu.dma_semaphore, #tpu.memory_space<semaphore_mem>>)
        %dma_wait3A_123 = arith.constant 0 : i32
        %dma_wait3A_124 = tpu.memref_slice %arg14[%add3A_118, %dma_wait3A_123] : memref<10240x64xf32, #tpu.memory_space<vmem_shared>> -> memref<128x64xf32, #tpu.memory_space<vmem_shared>>
        %dma_wait3A_125 = arith.constant 0 : i32
        %dma_wait3A_126 = tpu.memref_slice %arg14[%add3A_118, %dma_wait3A_125] : memref<10240x64xf32, #tpu.memory_space<vmem_shared>> -> memref<128x64xf32, #tpu.memory_space<vmem_shared>>
        tpu.wait_dma2 semaphore(%run_scoped3A : memref<!tpu.dma_semaphore, #tpu.memory_space<semaphore_mem>>) src(%arg9 : memref<128x64xf32, #tpu.memory_space<vmem>>) dst(%dma_wait3A_126 : memref<128x64xf32, #tpu.memory_space<vmem_shared>>)
        tpu.yield
      }) : () -> ()
    }
    %scan3A_26 = arith.constant 5 : i32
    %barrier3A = arith.constant 0 : index
    tpu.barrier barrier_id(%barrier3A)
    %dma_wait3A = arith.constant 0 : i32
    %dma_wait3A_27 = tpu.memref_slice %arg3[%mul3A_3, %dma_wait3A] : memref<2560x128xi32, #tpu.memory_space<hbm>> -> memref<160x128xi32, #tpu.memory_space<hbm>>
    %dma_wait3A_28 = arith.constant 0 : i32
    %dma_wait3A_29 = tpu.memref_slice %arg3[%mul3A_3, %dma_wait3A_28] : memref<2560x128xi32, #tpu.memory_space<hbm>> -> memref<160x128xi32, #tpu.memory_space<hbm>>
    tpu.wait_dma2 semaphore(%arg15 : memref<!tpu.dma_semaphore, #tpu.memory_space<semaphore_mem>>) src(%dma_wait3A_29 : memref<160x128xi32, #tpu.memory_space<hbm>>) dst(%arg7 : memref<160x128xi32, #tpu.memory_space<vmem>>)
    %dma_wait3A_30 = arith.constant 0 : i32
    %dma_wait3A_31 = tpu.memref_slice %arg4[%mul3A_3, %dma_wait3A_30] : memref<2560x128xi32, #tpu.memory_space<hbm>> -> memref<160x128xi32, #tpu.memory_space<hbm>>
    %dma_wait3A_32 = arith.constant 0 : i32
    %dma_wait3A_33 = tpu.memref_slice %arg4[%mul3A_3, %dma_wait3A_32] : memref<2560x128xi32, #tpu.memory_space<hbm>> -> memref<160x128xi32, #tpu.memory_space<hbm>>
    tpu.wait_dma2 semaphore(%arg16 : memref<!tpu.dma_semaphore, #tpu.memory_space<semaphore_mem>>) src(%dma_wait3A_33 : memref<160x128xi32, #tpu.memory_space<hbm>>) dst(%arg8 : memref<160x128xi32, #tpu.memory_space<vmem>>)
    %dma_start3A_34 = arith.constant 0 : i32
    %dma_start3A_35 = arith.constant 0 : i32
    %dma_start3A_36 = tpu.memref_slice %arg7[%dma_start3A_34, %dma_start3A_35] : memref<160x128xi32, #tpu.memory_space<vmem>> -> memref<1x128xi32, #tpu.memory_space<vmem>>
    %dma_start3A_37 = tpu.memref_squeeze %dma_start3A_36 : memref<1x128xi32, #tpu.memory_space<vmem>> -> memref<128xi32, #tpu.memory_space<vmem>>
    %dma_start3A_38 = arith.constant 0 : i32
    %dma_start3A_39 = arith.constant 0 : i32
    %dma_start3A_40 = tpu.memref_slice %arg2[%arg0, %dma_start3A_38, %dma_start3A_39] : memref<2x10000x64xf32, #tpu.memory_space<hbm>> -> memref<1x10000x64xf32, #tpu.memory_space<hbm>>
    %dma_start3A_41 = tpu.memref_squeeze %dma_start3A_40 : memref<1x10000x64xf32, #tpu.memory_space<hbm>> -> memref<10000x64xf32, #tpu.memory_space<hbm>>
    %dma_start3A_42 = arith.constant 0 : i32
    %dma_start3A_43 = arith.constant 0 : i32
    %dma_start3A_44 = tpu.memref_slice %dma_start3A_41[%dma_start3A_42, %dma_start3A_43] : memref<10000x64xf32, #tpu.memory_space<hbm>> -> memref<10000x64xf32, #tpu.memory_space<hbm>>
    tpu.enqueue_indirect_dma source(%dma_start3A_44 : memref<10000x64xf32, #tpu.memory_space<hbm>>) target(%arg9 : memref<128x64xf32, #tpu.memory_space<vmem>>) offsets(%dma_start3A_37 : memref<128xi32, #tpu.memory_space<vmem>>) semaphore(%arg15 : memref<!tpu.dma_semaphore, #tpu.memory_space<semaphore_mem>>)
    %dma_start3A_45 = arith.constant 1 : i32
    %dma_start3A_46 = arith.constant 0 : i32
    %dma_start3A_47 = tpu.memref_slice %arg7[%dma_start3A_45, %dma_start3A_46] : memref<160x128xi32, #tpu.memory_space<vmem>> -> memref<1x128xi32, #tpu.memory_space<vmem>>
    %dma_start3A_48 = tpu.memref_squeeze %dma_start3A_47 : memref<1x128xi32, #tpu.memory_space<vmem>> -> memref<128xi32, #tpu.memory_space<vmem>>
    %dma_start3A_49 = arith.constant 0 : i32
    %dma_start3A_50 = arith.constant 0 : i32
    %dma_start3A_51 = tpu.memref_slice %arg2[%arg0, %dma_start3A_49, %dma_start3A_50] : memref<2x10000x64xf32, #tpu.memory_space<hbm>> -> memref<1x10000x64xf32, #tpu.memory_space<hbm>>
    %dma_start3A_52 = tpu.memref_squeeze %dma_start3A_51 : memref<1x10000x64xf32, #tpu.memory_space<hbm>> -> memref<10000x64xf32, #tpu.memory_space<hbm>>
    %dma_start3A_53 = arith.constant 0 : i32
    %dma_start3A_54 = arith.constant 0 : i32
    %dma_start3A_55 = tpu.memref_slice %dma_start3A_52[%dma_start3A_53, %dma_start3A_54] : memref<10000x64xf32, #tpu.memory_space<hbm>> -> memref<10000x64xf32, #tpu.memory_space<hbm>>
    tpu.enqueue_indirect_dma source(%dma_start3A_55 : memref<10000x64xf32, #tpu.memory_space<hbm>>) target(%arg10 : memref<128x64xf32, #tpu.memory_space<vmem>>) offsets(%dma_start3A_48 : memref<128xi32, #tpu.memory_space<vmem>>) semaphore(%arg16 : memref<!tpu.dma_semaphore, #tpu.memory_space<semaphore_mem>>)
    %dma_start3A_56 = arith.constant 2 : i32
    %dma_start3A_57 = arith.constant 0 : i32
    %dma_start3A_58 = tpu.memref_slice %arg7[%dma_start3A_56, %dma_start3A_57] : memref<160x128xi32, #tpu.memory_space<vmem>> -> memref<1x128xi32, #tpu.memory_space<vmem>>
    %dma_start3A_59 = tpu.memref_squeeze %dma_start3A_58 : memref<1x128xi32, #tpu.memory_space<vmem>> -> memref<128xi32, #tpu.memory_space<vmem>>
    %dma_start3A_60 = arith.constant 0 : i32
    %dma_start3A_61 = arith.constant 0 : i32
    %dma_start3A_62 = tpu.memref_slice %arg2[%arg0, %dma_start3A_60, %dma_start3A_61] : memref<2x10000x64xf32, #tpu.memory_space<hbm>> -> memref<1x10000x64xf32, #tpu.memory_space<hbm>>
    %dma_start3A_63 = tpu.memref_squeeze %dma_start3A_62 : memref<1x10000x64xf32, #tpu.memory_space<hbm>> -> memref<10000x64xf32, #tpu.memory_space<hbm>>
    %dma_start3A_64 = arith.constant 0 : i32
    %dma_start3A_65 = arith.constant 0 : i32
    %dma_start3A_66 = tpu.memref_slice %dma_start3A_63[%dma_start3A_64, %dma_start3A_65] : memref<10000x64xf32, #tpu.memory_space<hbm>> -> memref<10000x64xf32, #tpu.memory_space<hbm>>
    tpu.enqueue_indirect_dma source(%dma_start3A_66 : memref<10000x64xf32, #tpu.memory_space<hbm>>) target(%arg11 : memref<128x64xf32, #tpu.memory_space<vmem>>) offsets(%dma_start3A_59 : memref<128xi32, #tpu.memory_space<vmem>>) semaphore(%arg17 : memref<!tpu.dma_semaphore, #tpu.memory_space<semaphore_mem>>)
    %dma_start3A_67 = arith.constant 3 : i32
    %dma_start3A_68 = arith.constant 0 : i32
    %dma_start3A_69 = tpu.memref_slice %arg7[%dma_start3A_67, %dma_start3A_68] : memref<160x128xi32, #tpu.memory_space<vmem>> -> memref<1x128xi32, #tpu.memory_space<vmem>>
    %dma_start3A_70 = tpu.memref_squeeze %dma_start3A_69 : memref<1x128xi32, #tpu.memory_space<vmem>> -> memref<128xi32, #tpu.memory_space<vmem>>
    %dma_start3A_71 = arith.constant 0 : i32
    %dma_start3A_72 = arith.constant 0 : i32
    %dma_start3A_73 = tpu.memref_slice %arg2[%arg0, %dma_start3A_71, %dma_start3A_72] : memref<2x10000x64xf32, #tpu.memory_space<hbm>> -> memref<1x10000x64xf32, #tpu.memory_space<hbm>>
    %dma_start3A_74 = tpu.memref_squeeze %dma_start3A_73 : memref<1x10000x64xf32, #tpu.memory_space<hbm>> -> memref<10000x64xf32, #tpu.memory_space<hbm>>
    %dma_start3A_75 = arith.constant 0 : i32
    %dma_start3A_76 = arith.constant 0 : i32
    %dma_start3A_77 = tpu.memref_slice %dma_start3A_74[%dma_start3A_75, %dma_start3A_76] : memref<10000x64xf32, #tpu.memory_space<hbm>> -> memref<10000x64xf32, #tpu.memory_space<hbm>>
    tpu.enqueue_indirect_dma source(%dma_start3A_77 : memref<10000x64xf32, #tpu.memory_space<hbm>>) target(%arg12 : memref<128x64xf32, #tpu.memory_space<vmem>>) offsets(%dma_start3A_70 : memref<128xi32, #tpu.memory_space<vmem>>) semaphore(%arg18 : memref<!tpu.dma_semaphore, #tpu.memory_space<semaphore_mem>>)
    %scan3A_78 = arith.constant 0 : i32
    %scan3A_79 = arith.constant 40 : i32
    %scan3A_80 = arith.addi %scan3A_78, %scan3A_79 : i32
    %scan3A_81 = arith.constant 1 : i32
    scf.for %scan3A_112 = %scan3A_78 to %scan3A_80 step %scan3A_81  : i32 {
      %mul3A_113 = arith.constant 1 : i32
      %mul3A_114 = arith.muli %scan3A_112, %mul3A_113 : i32
      %add3A = arith.constant 0 : i32
      %add3A_115 = arith.addi %add3A, %mul3A_114 : i32
      %mul3A_116 = arith.constant 4 : i32
      %mul3A_117 = arith.muli %add3A_115, %mul3A_116 : i32
      %add3A_118 = arith.constant 0 : i32
      %add3A_119 = arith.addi %mul3A_117, %add3A_118 : i32
      %dma_wait3A_120 = arith.constant 0 : i32
      %dma_wait3A_121 = tpu.memref_slice %arg7[%add3A_119, %dma_wait3A_120] : memref<160x128xi32, #tpu.memory_space<vmem>> -> memref<1x128xi32, #tpu.memory_space<vmem>>
      %dma_wait3A_122 = tpu.memref_squeeze %dma_wait3A_121 : memref<1x128xi32, #tpu.memory_space<vmem>> -> memref<128xi32, #tpu.memory_space<vmem>>
      %dma_wait3A_123 = arith.constant 0 : i32
      %dma_wait3A_124 = arith.constant 0 : i32
      %dma_wait3A_125 = tpu.memref_slice %arg2[%arg0, %dma_wait3A_123, %dma_wait3A_124] : memref<2x10000x64xf32, #tpu.memory_space<hbm>> -> memref<1x10000x64xf32, #tpu.memory_space<hbm>>
      %dma_wait3A_126 = tpu.memref_squeeze %dma_wait3A_125 : memref<1x10000x64xf32, #tpu.memory_space<hbm>> -> memref<10000x64xf32, #tpu.memory_space<hbm>>
      %dma_wait3A_127 = arith.constant 0 : i32
      %dma_wait3A_128 = arith.constant 0 : i32
      %dma_wait3A_129 = tpu.memref_slice %dma_wait3A_126[%dma_wait3A_127, %dma_wait3A_128] : memref<10000x64xf32, #tpu.memory_space<hbm>> -> memref<10000x64xf32, #tpu.memory_space<hbm>>
      tpu.wait_indirect_dma semaphore(%arg15 : memref<!tpu.dma_semaphore, #tpu.memory_space<semaphore_mem>>) src(%dma_wait3A_129 : memref<10000x64xf32, #tpu.memory_space<hbm>>) dst(%arg9 : memref<128x64xf32, #tpu.memory_space<vmem>>)
      %dma_start3A_130 = arith.constant 0 : i32
      %dma_start3A_131 = tpu.memref_slice %arg8[%add3A_119, %dma_start3A_130] : memref<160x128xi32, #tpu.memory_space<vmem>> -> memref<1x128xi32, #tpu.memory_space<vmem>>
      %dma_start3A_132 = tpu.memref_squeeze %dma_start3A_131 : memref<1x128xi32, #tpu.memory_space<vmem>> -> memref<128xi32, #tpu.memory_space<vmem>>
      %dma_start3A_133 = arith.constant 0 : i32
      %dma_start3A_134 = arith.constant 0 : i32
      %dma_start3A_135 = tpu.memref_slice %arg14[%dma_start3A_133, %dma_start3A_134] : memref<10240x64xf32, #tpu.memory_space<vmem_shared>> -> memref<10240x64xf32, #tpu.memory_space<vmem_shared>>
      tpu.enqueue_indirect_dma source(%arg9 : memref<128x64xf32, #tpu.memory_space<vmem>>) target(%dma_start3A_135 : memref<10240x64xf32, #tpu.memory_space<vmem_shared>>) offsets(%dma_start3A_132 : memref<128xi32, #tpu.memory_space<vmem>>) semaphore(%arg19 : memref<!tpu.dma_semaphore, #tpu.memory_space<semaphore_mem>>) {add = true}
      %eq3A = arith.constant 0 : i32
      %eq3A_136 = arith.cmpi eq, %arg0, %eq3A : i32
      %lt3A = arith.constant 80 : i32
      %lt3A_137 = arith.cmpi slt, %add3A_119, %lt3A : i32
      %ge3A = arith.constant 80 : i32
      %ge3A_138 = arith.cmpi sge, %add3A_119, %ge3A : i32
      %select_n3A = arith.select %eq3A_136, %lt3A_137, %ge3A_138 : i1
      %convert_element_type3A = arith.extui %select_n3A : i1 to i32
      %cond3A = arith.constant 0 : i32
      %cond3A_139 = arith.cmpi ne, %convert_element_type3A, %cond3A : i32
      scf.if %cond3A_139 {
        %scan3A_260 = arith.constant 0 : i32
        %scan3A_261 = arith.constant 8 : i32
        %scan3A_262 = arith.addi %scan3A_260, %scan3A_261 : i32
        %scan3A_263 = arith.constant 1 : i32
        scf.for %scan3A_265 = %scan3A_260 to %scan3A_262 step %scan3A_263  : i32 {
          %mul3A_266 = arith.constant 1 : i32
          %mul3A_267 = arith.muli %scan3A_265, %mul3A_266 : i32
          %add3A_268 = arith.constant 0 : i32
          %add3A_269 = arith.addi %add3A_268, %mul3A_267 : i32
          %mul3A_270 = arith.constant 16 : i32
          %mul3A_271 = arith.muli %add3A_269, %mul3A_270 : i32
          %get3A = arith.index_cast %add3A_119 : i32 to index
          %get3A_272 = arith.index_cast %mul3A_271 : i32 to index
          %get3A_273 = tpu.vector_load %arg8[%get3A, %get3A_272] {strides = array<i32>} : memref<160x128xi32, #tpu.memory_space<vmem>>, vector<16xi32>,
          tpu.vector_store_idx %arg13[%get3A_273], %broadcast_in_dim3A_2 {add = true} : memref<10240xf32, #tpu.memory_space<vmem>>[vector<16xi32>], vector<16xf32>,
        }
        %scan3A_264 = arith.constant 8 : i32
      } else {
      }
      %add3A_140 = arith.constant 1 : i32
      %add3A_141 = arith.addi %mul3A_117, %add3A_140 : i32
      %dma_wait3A_142 = arith.constant 0 : i32
      %dma_wait3A_143 = tpu.memref_slice %arg7[%add3A_141, %dma_wait3A_142] : memref<160x128xi32, #tpu.memory_space<vmem>> -> memref<1x128xi32, #tpu.memory_space<vmem>>
      %dma_wait3A_144 = tpu.memref_squeeze %dma_wait3A_143 : memref<1x128xi32, #tpu.memory_space<vmem>> -> memref<128xi32, #tpu.memory_space<vmem>>
      %dma_wait3A_145 = arith.constant 0 : i32
      %dma_wait3A_146 = arith.constant 0 : i32
      %dma_wait3A_147 = tpu.memref_slice %arg2[%arg0, %dma_wait3A_145, %dma_wait3A_146] : memref<2x10000x64xf32, #tpu.memory_space<hbm>> -> memref<1x10000x64xf32, #tpu.memory_space<hbm>>
      %dma_wait3A_148 = tpu.memref_squeeze %dma_wait3A_147 : memref<1x10000x64xf32, #tpu.memory_space<hbm>> -> memref<10000x64xf32, #tpu.memory_space<hbm>>
      %dma_wait3A_149 = arith.constant 0 : i32
      %dma_wait3A_150 = arith.constant 0 : i32
      %dma_wait3A_151 = tpu.memref_slice %dma_wait3A_148[%dma_wait3A_149, %dma_wait3A_150] : memref<10000x64xf32, #tpu.memory_space<hbm>> -> memref<10000x64xf32, #tpu.memory_space<hbm>>
      tpu.wait_indirect_dma semaphore(%arg16 : memref<!tpu.dma_semaphore, #tpu.memory_space<semaphore_mem>>) src(%dma_wait3A_151 : memref<10000x64xf32, #tpu.memory_space<hbm>>) dst(%arg10 : memref<128x64xf32, #tpu.memory_space<vmem>>)
      %dma_start3A_152 = arith.constant 0 : i32
      %dma_start3A_153 = tpu.memref_slice %arg8[%add3A_141, %dma_start3A_152] : memref<160x128xi32, #tpu.memory_space<vmem>> -> memref<1x128xi32, #tpu.memory_space<vmem>>
      %dma_start3A_154 = tpu.memref_squeeze %dma_start3A_153 : memref<1x128xi32, #tpu.memory_space<vmem>> -> memref<128xi32, #tpu.memory_space<vmem>>
      %dma_start3A_155 = arith.constant 0 : i32
      %dma_start3A_156 = arith.constant 0 : i32
      %dma_start3A_157 = tpu.memref_slice %arg14[%dma_start3A_155, %dma_start3A_156] : memref<10240x64xf32, #tpu.memory_space<vmem_shared>> -> memref<10240x64xf32, #tpu.memory_space<vmem_shared>>
      tpu.enqueue_indirect_dma source(%arg10 : memref<128x64xf32, #tpu.memory_space<vmem>>) target(%dma_start3A_157 : memref<10240x64xf32, #tpu.memory_space<vmem_shared>>) offsets(%dma_start3A_154 : memref<128xi32, #tpu.memory_space<vmem>>) semaphore(%arg20 : memref<!tpu.dma_semaphore, #tpu.memory_space<semaphore_mem>>) {add = true}
      %eq3A_158 = arith.constant 0 : i32
      %eq3A_159 = arith.cmpi eq, %arg0, %eq3A_158 : i32
      %lt3A_160 = arith.constant 80 : i32
      %lt3A_161 = arith.cmpi slt, %add3A_141, %lt3A_160 : i32
      %ge3A_162 = arith.constant 80 : i32
      %ge3A_163 = arith.cmpi sge, %add3A_141, %ge3A_162 : i32
      %select_n3A_164 = arith.select %eq3A_159, %lt3A_161, %ge3A_163 : i1
      %convert_element_type3A_165 = arith.extui %select_n3A_164 : i1 to i32
      %cond3A_166 = arith.constant 0 : i32
      %cond3A_167 = arith.cmpi ne, %convert_element_type3A_165, %cond3A_166 : i32
      scf.if %cond3A_167 {
        %scan3A_260 = arith.constant 0 : i32
        %scan3A_261 = arith.constant 8 : i32
        %scan3A_262 = arith.addi %scan3A_260, %scan3A_261 : i32
        %scan3A_263 = arith.constant 1 : i32
        scf.for %scan3A_265 = %scan3A_260 to %scan3A_262 step %scan3A_263  : i32 {
          %mul3A_266 = arith.constant 1 : i32
          %mul3A_267 = arith.muli %scan3A_265, %mul3A_266 : i32
          %add3A_268 = arith.constant 0 : i32
          %add3A_269 = arith.addi %add3A_268, %mul3A_267 : i32
          %mul3A_270 = arith.constant 16 : i32
          %mul3A_271 = arith.muli %add3A_269, %mul3A_270 : i32
          %get3A = arith.index_cast %add3A_141 : i32 to index
          %get3A_272 = arith.index_cast %mul3A_271 : i32 to index
          %get3A_273 = tpu.vector_load %arg8[%get3A, %get3A_272] {strides = array<i32>} : memref<160x128xi32, #tpu.memory_space<vmem>>, vector<16xi32>,
          tpu.vector_store_idx %arg13[%get3A_273], %broadcast_in_dim3A_2 {add = true} : memref<10240xf32, #tpu.memory_space<vmem>>[vector<16xi32>], vector<16xf32>,
        }
        %scan3A_264 = arith.constant 8 : i32
      } else {
      }
      %add3A_168 = arith.constant 2 : i32
      %add3A_169 = arith.addi %mul3A_117, %add3A_168 : i32
      %dma_wait3A_170 = arith.constant 0 : i32
      %dma_wait3A_171 = tpu.memref_slice %arg7[%add3A_169, %dma_wait3A_170] : memref<160x128xi32, #tpu.memory_space<vmem>> -> memref<1x128xi32, #tpu.memory_space<vmem>>
      %dma_wait3A_172 = tpu.memref_squeeze %dma_wait3A_171 : memref<1x128xi32, #tpu.memory_space<vmem>> -> memref<128xi32, #tpu.memory_space<vmem>>
      %dma_wait3A_173 = arith.constant 0 : i32
      %dma_wait3A_174 = arith.constant 0 : i32
      %dma_wait3A_175 = tpu.memref_slice %arg2[%arg0, %dma_wait3A_173, %dma_wait3A_174] : memref<2x10000x64xf32, #tpu.memory_space<hbm>> -> memref<1x10000x64xf32, #tpu.memory_space<hbm>>
      %dma_wait3A_176 = tpu.memref_squeeze %dma_wait3A_175 : memref<1x10000x64xf32, #tpu.memory_space<hbm>> -> memref<10000x64xf32, #tpu.memory_space<hbm>>
      %dma_wait3A_177 = arith.constant 0 : i32
      %dma_wait3A_178 = arith.constant 0 : i32
      %dma_wait3A_179 = tpu.memref_slice %dma_wait3A_176[%dma_wait3A_177, %dma_wait3A_178] : memref<10000x64xf32, #tpu.memory_space<hbm>> -> memref<10000x64xf32, #tpu.memory_space<hbm>>
      tpu.wait_indirect_dma semaphore(%arg17 : memref<!tpu.dma_semaphore, #tpu.memory_space<semaphore_mem>>) src(%dma_wait3A_179 : memref<10000x64xf32, #tpu.memory_space<hbm>>) dst(%arg11 : memref<128x64xf32, #tpu.memory_space<vmem>>)
      %dma_start3A_180 = arith.constant 0 : i32
      %dma_start3A_181 = tpu.memref_slice %arg8[%add3A_169, %dma_start3A_180] : memref<160x128xi32, #tpu.memory_space<vmem>> -> memref<1x128xi32, #tpu.memory_space<vmem>>
      %dma_start3A_182 = tpu.memref_squeeze %dma_start3A_181 : memref<1x128xi32, #tpu.memory_space<vmem>> -> memref<128xi32, #tpu.memory_space<vmem>>
      %dma_start3A_183 = arith.constant 0 : i32
      %dma_start3A_184 = arith.constant 0 : i32
      %dma_start3A_185 = tpu.memref_slice %arg14[%dma_start3A_183, %dma_start3A_184] : memref<10240x64xf32, #tpu.memory_space<vmem_shared>> -> memref<10240x64xf32, #tpu.memory_space<vmem_shared>>
      tpu.enqueue_indirect_dma source(%arg11 : memref<128x64xf32, #tpu.memory_space<vmem>>) target(%dma_start3A_185 : memref<10240x64xf32, #tpu.memory_space<vmem_shared>>) offsets(%dma_start3A_182 : memref<128xi32, #tpu.memory_space<vmem>>) semaphore(%arg21 : memref<!tpu.dma_semaphore, #tpu.memory_space<semaphore_mem>>) {add = true}
      %eq3A_186 = arith.constant 0 : i32
      %eq3A_187 = arith.cmpi eq, %arg0, %eq3A_186 : i32
      %lt3A_188 = arith.constant 80 : i32
      %lt3A_189 = arith.cmpi slt, %add3A_169, %lt3A_188 : i32
      %ge3A_190 = arith.constant 80 : i32
      %ge3A_191 = arith.cmpi sge, %add3A_169, %ge3A_190 : i32
      %select_n3A_192 = arith.select %eq3A_187, %lt3A_189, %ge3A_191 : i1
      %convert_element_type3A_193 = arith.extui %select_n3A_192 : i1 to i32
      %cond3A_194 = arith.constant 0 : i32
      %cond3A_195 = arith.cmpi ne, %convert_element_type3A_193, %cond3A_194 : i32
      scf.if %cond3A_195 {
        %scan3A_260 = arith.constant 0 : i32
        %scan3A_261 = arith.constant 8 : i32
        %scan3A_262 = arith.addi %scan3A_260, %scan3A_261 : i32
        %scan3A_263 = arith.constant 1 : i32
        scf.for %scan3A_265 = %scan3A_260 to %scan3A_262 step %scan3A_263  : i32 {
          %mul3A_266 = arith.constant 1 : i32
          %mul3A_267 = arith.muli %scan3A_265, %mul3A_266 : i32
          %add3A_268 = arith.constant 0 : i32
          %add3A_269 = arith.addi %add3A_268, %mul3A_267 : i32
          %mul3A_270 = arith.constant 16 : i32
          %mul3A_271 = arith.muli %add3A_269, %mul3A_270 : i32
          %get3A = arith.index_cast %add3A_169 : i32 to index
          %get3A_272 = arith.index_cast %mul3A_271 : i32 to index
          %get3A_273 = tpu.vector_load %arg8[%get3A, %get3A_272] {strides = array<i32>} : memref<160x128xi32, #tpu.memory_space<vmem>>, vector<16xi32>,
          tpu.vector_store_idx %arg13[%get3A_273], %broadcast_in_dim3A_2 {add = true} : memref<10240xf32, #tpu.memory_space<vmem>>[vector<16xi32>], vector<16xf32>,
        }
        %scan3A_264 = arith.constant 8 : i32
      } else {
      }
      %add3A_196 = arith.constant 3 : i32
      %add3A_197 = arith.addi %mul3A_117, %add3A_196 : i32
      %dma_wait3A_198 = arith.constant 0 : i32
      %dma_wait3A_199 = tpu.memref_slice %arg7[%add3A_197, %dma_wait3A_198] : memref<160x128xi32, #tpu.memory_space<vmem>> -> memref<1x128xi32, #tpu.memory_space<vmem>>
      %dma_wait3A_200 = tpu.memref_squeeze %dma_wait3A_199 : memref<1x128xi32, #tpu.memory_space<vmem>> -> memref<128xi32, #tpu.memory_space<vmem>>
      %dma_wait3A_201 = arith.constant 0 : i32
      %dma_wait3A_202 = arith.constant 0 : i32
      %dma_wait3A_203 = tpu.memref_slice %arg2[%arg0, %dma_wait3A_201, %dma_wait3A_202] : memref<2x10000x64xf32, #tpu.memory_space<hbm>> -> memref<1x10000x64xf32, #tpu.memory_space<hbm>>
      %dma_wait3A_204 = tpu.memref_squeeze %dma_wait3A_203 : memref<1x10000x64xf32, #tpu.memory_space<hbm>> -> memref<10000x64xf32, #tpu.memory_space<hbm>>
      %dma_wait3A_205 = arith.constant 0 : i32
      %dma_wait3A_206 = arith.constant 0 : i32
      %dma_wait3A_207 = tpu.memref_slice %dma_wait3A_204[%dma_wait3A_205, %dma_wait3A_206] : memref<10000x64xf32, #tpu.memory_space<hbm>> -> memref<10000x64xf32, #tpu.memory_space<hbm>>
      tpu.wait_indirect_dma semaphore(%arg18 : memref<!tpu.dma_semaphore, #tpu.memory_space<semaphore_mem>>) src(%dma_wait3A_207 : memref<10000x64xf32, #tpu.memory_space<hbm>>) dst(%arg12 : memref<128x64xf32, #tpu.memory_space<vmem>>)
      %dma_start3A_208 = arith.constant 0 : i32
      %dma_start3A_209 = tpu.memref_slice %arg8[%add3A_197, %dma_start3A_208] : memref<160x128xi32, #tpu.memory_space<vmem>> -> memref<1x128xi32, #tpu.memory_space<vmem>>
      %dma_start3A_210 = tpu.memref_squeeze %dma_start3A_209 : memref<1x128xi32, #tpu.memory_space<vmem>> -> memref<128xi32, #tpu.memory_space<vmem>>
      %dma_start3A_211 = arith.constant 0 : i32
      %dma_start3A_212 = arith.constant 0 : i32
      %dma_start3A_213 = tpu.memref_slice %arg14[%dma_start3A_211, %dma_start3A_212] : memref<10240x64xf32, #tpu.memory_space<vmem_shared>> -> memref<10240x64xf32, #tpu.memory_space<vmem_shared>>
      tpu.enqueue_indirect_dma source(%arg12 : memref<128x64xf32, #tpu.memory_space<vmem>>) target(%dma_start3A_213 : memref<10240x64xf32, #tpu.memory_space<vmem_shared>>) offsets(%dma_start3A_210 : memref<128xi32, #tpu.memory_space<vmem>>) semaphore(%arg22 : memref<!tpu.dma_semaphore, #tpu.memory_space<semaphore_mem>>) {add = true}
      %eq3A_214 = arith.constant 0 : i32
      %eq3A_215 = arith.cmpi eq, %arg0, %eq3A_214 : i32
      %lt3A_216 = arith.constant 80 : i32
      %lt3A_217 = arith.cmpi slt, %add3A_197, %lt3A_216 : i32
      %ge3A_218 = arith.constant 80 : i32
      %ge3A_219 = arith.cmpi sge, %add3A_197, %ge3A_218 : i32
      %select_n3A_220 = arith.select %eq3A_215, %lt3A_217, %ge3A_219 : i1
      %convert_element_type3A_221 = arith.extui %select_n3A_220 : i1 to i32
      %cond3A_222 = arith.constant 0 : i32
      %cond3A_223 = arith.cmpi ne, %convert_element_type3A_221, %cond3A_222 : i32
      scf.if %cond3A_223 {
        %scan3A_260 = arith.constant 0 : i32
        %scan3A_261 = arith.constant 8 : i32
        %scan3A_262 = arith.addi %scan3A_260, %scan3A_261 : i32
        %scan3A_263 = arith.constant 1 : i32
        scf.for %scan3A_265 = %scan3A_260 to %scan3A_262 step %scan3A_263  : i32 {
          %mul3A_266 = arith.constant 1 : i32
          %mul3A_267 = arith.muli %scan3A_265, %mul3A_266 : i32
          %add3A_268 = arith.constant 0 : i32
          %add3A_269 = arith.addi %add3A_268, %mul3A_267 : i32
          %mul3A_270 = arith.constant 16 : i32
          %mul3A_271 = arith.muli %add3A_269, %mul3A_270 : i32
          %get3A = arith.index_cast %add3A_197 : i32 to index
          %get3A_272 = arith.index_cast %mul3A_271 : i32 to index
          %get3A_273 = tpu.vector_load %arg8[%get3A, %get3A_272] {strides = array<i32>} : memref<160x128xi32, #tpu.memory_space<vmem>>, vector<16xi32>,
          tpu.vector_store_idx %arg13[%get3A_273], %broadcast_in_dim3A_2 {add = true} : memref<10240xf32, #tpu.memory_space<vmem>>[vector<16xi32>], vector<16xf32>,
        }
        %scan3A_264 = arith.constant 8 : i32
      } else {
      }
      %add3A_224 = arith.constant 0 : i32
      %add3A_225 = arith.addi %mul3A_117, %add3A_224 : i32
      %add3A_226 = arith.constant 4 : i32
      %add3A_227 = arith.addi %add3A_225, %add3A_226 : i32
      %lt3A_228 = arith.constant 160 : i32
      %lt3A_229 = arith.cmpi slt, %add3A_227, %lt3A_228 : i32
      %convert_element_type3A_230 = arith.extui %lt3A_229 : i1 to i32
      %cond3A_231 = arith.constant 0 : i32
      %cond3A_232 = arith.cmpi ne, %convert_element_type3A_230, %cond3A_231 : i32
      scf.if %cond3A_232 {
        %dma_wait3A_260 = arith.constant 0 : i32
        %dma_wait3A_261 = tpu.memref_slice %arg8[%add3A_225, %dma_wait3A_260] : memref<160x128xi32, #tpu.memory_space<vmem>> -> memref<1x128xi32, #tpu.memory_space<vmem>>
        %dma_wait3A_262 = tpu.memref_squeeze %dma_wait3A_261 : memref<1x128xi32, #tpu.memory_space<vmem>> -> memref<128xi32, #tpu.memory_space<vmem>>
        %dma_wait3A_263 = arith.constant 0 : i32
        %dma_wait3A_264 = arith.constant 0 : i32
        %dma_wait3A_265 = tpu.memref_slice %arg14[%dma_wait3A_263, %dma_wait3A_264] : memref<10240x64xf32, #tpu.memory_space<vmem_shared>> -> memref<10240x64xf32, #tpu.memory_space<vmem_shared>>
        tpu.wait_indirect_dma semaphore(%arg19 : memref<!tpu.dma_semaphore, #tpu.memory_space<semaphore_mem>>) src(%arg9 : memref<128x64xf32, #tpu.memory_space<vmem>>) dst(%dma_wait3A_265 : memref<10240x64xf32, #tpu.memory_space<vmem_shared>>)
        %add3A_266 = arith.constant 4 : i32
        %add3A_267 = arith.addi %add3A_225, %add3A_266 : i32
        %dma_start3A_268 = arith.constant 0 : i32
        %dma_start3A_269 = tpu.memref_slice %arg7[%add3A_267, %dma_start3A_268] : memref<160x128xi32, #tpu.memory_space<vmem>> -> memref<1x128xi32, #tpu.memory_space<vmem>>
        %dma_start3A_270 = tpu.memref_squeeze %dma_start3A_269 : memref<1x128xi32, #tpu.memory_space<vmem>> -> memref<128xi32, #tpu.memory_space<vmem>>
        %dma_start3A_271 = arith.constant 0 : i32
        %dma_start3A_272 = arith.constant 0 : i32
        %dma_start3A_273 = tpu.memref_slice %arg2[%arg0, %dma_start3A_271, %dma_start3A_272] : memref<2x10000x64xf32, #tpu.memory_space<hbm>> -> memref<1x10000x64xf32, #tpu.memory_space<hbm>>
        %dma_start3A_274 = tpu.memref_squeeze %dma_start3A_273 : memref<1x10000x64xf32, #tpu.memory_space<hbm>> -> memref<10000x64xf32, #tpu.memory_space<hbm>>
        %dma_start3A_275 = arith.constant 0 : i32
        %dma_start3A_276 = arith.constant 0 : i32
        %dma_start3A_277 = tpu.memref_slice %dma_start3A_274[%dma_start3A_275, %dma_start3A_276] : memref<10000x64xf32, #tpu.memory_space<hbm>> -> memref<10000x64xf32, #tpu.memory_space<hbm>>
        tpu.enqueue_indirect_dma source(%dma_start3A_277 : memref<10000x64xf32, #tpu.memory_space<hbm>>) target(%arg9 : memref<128x64xf32, #tpu.memory_space<vmem>>) offsets(%dma_start3A_270 : memref<128xi32, #tpu.memory_space<vmem>>) semaphore(%arg15 : memref<!tpu.dma_semaphore, #tpu.memory_space<semaphore_mem>>)
      } else {
      }
      %add3A_233 = arith.constant 1 : i32
      %add3A_234 = arith.addi %mul3A_117, %add3A_233 : i32
      %add3A_235 = arith.constant 4 : i32
      %add3A_236 = arith.addi %add3A_234, %add3A_235 : i32
      %lt3A_237 = arith.constant 160 : i32
      %lt3A_238 = arith.cmpi slt, %add3A_236, %lt3A_237 : i32
      %convert_element_type3A_239 = arith.extui %lt3A_238 : i1 to i32
      %cond3A_240 = arith.constant 0 : i32
      %cond3A_241 = arith.cmpi ne, %convert_element_type3A_239, %cond3A_240 : i32
      scf.if %cond3A_241 {
        %dma_wait3A_260 = arith.constant 0 : i32
        %dma_wait3A_261 = tpu.memref_slice %arg8[%add3A_234, %dma_wait3A_260] : memref<160x128xi32, #tpu.memory_space<vmem>> -> memref<1x128xi32, #tpu.memory_space<vmem>>
        %dma_wait3A_262 = tpu.memref_squeeze %dma_wait3A_261 : memref<1x128xi32, #tpu.memory_space<vmem>> -> memref<128xi32, #tpu.memory_space<vmem>>
        %dma_wait3A_263 = arith.constant 0 : i32
        %dma_wait3A_264 = arith.constant 0 : i32
        %dma_wait3A_265 = tpu.memref_slice %arg14[%dma_wait3A_263, %dma_wait3A_264] : memref<10240x64xf32, #tpu.memory_space<vmem_shared>> -> memref<10240x64xf32, #tpu.memory_space<vmem_shared>>
        tpu.wait_indirect_dma semaphore(%arg20 : memref<!tpu.dma_semaphore, #tpu.memory_space<semaphore_mem>>) src(%arg10 : memref<128x64xf32, #tpu.memory_space<vmem>>) dst(%dma_wait3A_265 : memref<10240x64xf32, #tpu.memory_space<vmem_shared>>)
        %add3A_266 = arith.constant 4 : i32
        %add3A_267 = arith.addi %add3A_234, %add3A_266 : i32
        %dma_start3A_268 = arith.constant 0 : i32
        %dma_start3A_269 = tpu.memref_slice %arg7[%add3A_267, %dma_start3A_268] : memref<160x128xi32, #tpu.memory_space<vmem>> -> memref<1x128xi32, #tpu.memory_space<vmem>>
        %dma_start3A_270 = tpu.memref_squeeze %dma_start3A_269 : memref<1x128xi32, #tpu.memory_space<vmem>> -> memref<128xi32, #tpu.memory_space<vmem>>
        %dma_start3A_271 = arith.constant 0 : i32
        %dma_start3A_272 = arith.constant 0 : i32
        %dma_start3A_273 = tpu.memref_slice %arg2[%arg0, %dma_start3A_271, %dma_start3A_272] : memref<2x10000x64xf32, #tpu.memory_space<hbm>> -> memref<1x10000x64xf32, #tpu.memory_space<hbm>>
        %dma_start3A_274 = tpu.memref_squeeze %dma_start3A_273 : memref<1x10000x64xf32, #tpu.memory_space<hbm>> -> memref<10000x64xf32, #tpu.memory_space<hbm>>
        %dma_start3A_275 = arith.constant 0 : i32
        %dma_start3A_276 = arith.constant 0 : i32
        %dma_start3A_277 = tpu.memref_slice %dma_start3A_274[%dma_start3A_275, %dma_start3A_276] : memref<10000x64xf32, #tpu.memory_space<hbm>> -> memref<10000x64xf32, #tpu.memory_space<hbm>>
        tpu.enqueue_indirect_dma source(%dma_start3A_277 : memref<10000x64xf32, #tpu.memory_space<hbm>>) target(%arg10 : memref<128x64xf32, #tpu.memory_space<vmem>>) offsets(%dma_start3A_270 : memref<128xi32, #tpu.memory_space<vmem>>) semaphore(%arg16 : memref<!tpu.dma_semaphore, #tpu.memory_space<semaphore_mem>>)
      } else {
      }
      %add3A_242 = arith.constant 2 : i32
      %add3A_243 = arith.addi %mul3A_117, %add3A_242 : i32
      %add3A_244 = arith.constant 4 : i32
      %add3A_245 = arith.addi %add3A_243, %add3A_244 : i32
      %lt3A_246 = arith.constant 160 : i32
      %lt3A_247 = arith.cmpi slt, %add3A_245, %lt3A_246 : i32
      %convert_element_type3A_248 = arith.extui %lt3A_247 : i1 to i32
      %cond3A_249 = arith.constant 0 : i32
      %cond3A_250 = arith.cmpi ne, %convert_element_type3A_248, %cond3A_249 : i32
      scf.if %cond3A_250 {
        %dma_wait3A_260 = arith.constant 0 : i32
        %dma_wait3A_261 = tpu.memref_slice %arg8[%add3A_243, %dma_wait3A_260] : memref<160x128xi32, #tpu.memory_space<vmem>> -> memref<1x128xi32, #tpu.memory_space<vmem>>
        %dma_wait3A_262 = tpu.memref_squeeze %dma_wait3A_261 : memref<1x128xi32, #tpu.memory_space<vmem>> -> memref<128xi32, #tpu.memory_space<vmem>>
        %dma_wait3A_263 = arith.constant 0 : i32
        %dma_wait3A_264 = arith.constant 0 : i32
        %dma_wait3A_265 = tpu.memref_slice %arg14[%dma_wait3A_263, %dma_wait3A_264] : memref<10240x64xf32, #tpu.memory_space<vmem_shared>> -> memref<10240x64xf32, #tpu.memory_space<vmem_shared>>
        tpu.wait_indirect_dma semaphore(%arg21 : memref<!tpu.dma_semaphore, #tpu.memory_space<semaphore_mem>>) src(%arg11 : memref<128x64xf32, #tpu.memory_space<vmem>>) dst(%dma_wait3A_265 : memref<10240x64xf32, #tpu.memory_space<vmem_shared>>)
        %add3A_266 = arith.constant 4 : i32
        %add3A_267 = arith.addi %add3A_243, %add3A_266 : i32
        %dma_start3A_268 = arith.constant 0 : i32
        %dma_start3A_269 = tpu.memref_slice %arg7[%add3A_267, %dma_start3A_268] : memref<160x128xi32, #tpu.memory_space<vmem>> -> memref<1x128xi32, #tpu.memory_space<vmem>>
        %dma_start3A_270 = tpu.memref_squeeze %dma_start3A_269 : memref<1x128xi32, #tpu.memory_space<vmem>> -> memref<128xi32, #tpu.memory_space<vmem>>
        %dma_start3A_271 = arith.constant 0 : i32
        %dma_start3A_272 = arith.constant 0 : i32
        %dma_start3A_273 = tpu.memref_slice %arg2[%arg0, %dma_start3A_271, %dma_start3A_272] : memref<2x10000x64xf32, #tpu.memory_space<hbm>> -> memref<1x10000x64xf32, #tpu.memory_space<hbm>>
        %dma_start3A_274 = tpu.memref_squeeze %dma_start3A_273 : memref<1x10000x64xf32, #tpu.memory_space<hbm>> -> memref<10000x64xf32, #tpu.memory_space<hbm>>
        %dma_start3A_275 = arith.constant 0 : i32
        %dma_start3A_276 = arith.constant 0 : i32
        %dma_start3A_277 = tpu.memref_slice %dma_start3A_274[%dma_start3A_275, %dma_start3A_276] : memref<10000x64xf32, #tpu.memory_space<hbm>> -> memref<10000x64xf32, #tpu.memory_space<hbm>>
        tpu.enqueue_indirect_dma source(%dma_start3A_277 : memref<10000x64xf32, #tpu.memory_space<hbm>>) target(%arg11 : memref<128x64xf32, #tpu.memory_space<vmem>>) offsets(%dma_start3A_270 : memref<128xi32, #tpu.memory_space<vmem>>) semaphore(%arg17 : memref<!tpu.dma_semaphore, #tpu.memory_space<semaphore_mem>>)
      } else {
      }
      %add3A_251 = arith.constant 3 : i32
      %add3A_252 = arith.addi %mul3A_117, %add3A_251 : i32
      %add3A_253 = arith.constant 4 : i32
      %add3A_254 = arith.addi %add3A_252, %add3A_253 : i32
      %lt3A_255 = arith.constant 160 : i32
      %lt3A_256 = arith.cmpi slt, %add3A_254, %lt3A_255 : i32
      %convert_element_type3A_257 = arith.extui %lt3A_256 : i1 to i32
      %cond3A_258 = arith.constant 0 : i32
      %cond3A_259 = arith.cmpi ne, %convert_element_type3A_257, %cond3A_258 : i32
      scf.if %cond3A_259 {
        %dma_wait3A_260 = arith.constant 0 : i32
        %dma_wait3A_261 = tpu.memref_slice %arg8[%add3A_252, %dma_wait3A_260] : memref<160x128xi32, #tpu.memory_space<vmem>> -> memref<1x128xi32, #tpu.memory_space<vmem>>
        %dma_wait3A_262 = tpu.memref_squeeze %dma_wait3A_261 : memref<1x128xi32, #tpu.memory_space<vmem>> -> memref<128xi32, #tpu.memory_space<vmem>>
        %dma_wait3A_263 = arith.constant 0 : i32
        %dma_wait3A_264 = arith.constant 0 : i32
        %dma_wait3A_265 = tpu.memref_slice %arg14[%dma_wait3A_263, %dma_wait3A_264] : memref<10240x64xf32, #tpu.memory_space<vmem_shared>> -> memref<10240x64xf32, #tpu.memory_space<vmem_shared>>
        tpu.wait_indirect_dma semaphore(%arg22 : memref<!tpu.dma_semaphore, #tpu.memory_space<semaphore_mem>>) src(%arg12 : memref<128x64xf32, #tpu.memory_space<vmem>>) dst(%dma_wait3A_265 : memref<10240x64xf32, #tpu.memory_space<vmem_shared>>)
        %add3A_266 = arith.constant 4 : i32
        %add3A_267 = arith.addi %add3A_252, %add3A_266 : i32
        %dma_start3A_268 = arith.constant 0 : i32
        %dma_start3A_269 = tpu.memref_slice %arg7[%add3A_267, %dma_start3A_268] : memref<160x128xi32, #tpu.memory_space<vmem>> -> memref<1x128xi32, #tpu.memory_space<vmem>>
        %dma_start3A_270 = tpu.memref_squeeze %dma_start3A_269 : memref<1x128xi32, #tpu.memory_space<vmem>> -> memref<128xi32, #tpu.memory_space<vmem>>
        %dma_start3A_271 = arith.constant 0 : i32
        %dma_start3A_272 = arith.constant 0 : i32
        %dma_start3A_273 = tpu.memref_slice %arg2[%arg0, %dma_start3A_271, %dma_start3A_272] : memref<2x10000x64xf32, #tpu.memory_space<hbm>> -> memref<1x10000x64xf32, #tpu.memory_space<hbm>>
        %dma_start3A_274 = tpu.memref_squeeze %dma_start3A_273 : memref<1x10000x64xf32, #tpu.memory_space<hbm>> -> memref<10000x64xf32, #tpu.memory_space<hbm>>
        %dma_start3A_275 = arith.constant 0 : i32
        %dma_start3A_276 = arith.constant 0 : i32
        %dma_start3A_277 = tpu.memref_slice %dma_start3A_274[%dma_start3A_275, %dma_start3A_276] : memref<10000x64xf32, #tpu.memory_space<hbm>> -> memref<10000x64xf32, #tpu.memory_space<hbm>>
        tpu.enqueue_indirect_dma source(%dma_start3A_277 : memref<10000x64xf32, #tpu.memory_space<hbm>>) target(%arg12 : memref<128x64xf32, #tpu.memory_space<vmem>>) offsets(%dma_start3A_270 : memref<128xi32, #tpu.memory_space<vmem>>) semaphore(%arg18 : memref<!tpu.dma_semaphore, #tpu.memory_space<semaphore_mem>>)
      } else {
      }
    }
    %scan3A_82 = arith.constant 40 : i32
    %dma_wait3A_83 = arith.constant 156 : i32
    %dma_wait3A_84 = arith.constant 0 : i32
    %dma_wait3A_85 = tpu.memref_slice %arg8[%dma_wait3A_83, %dma_wait3A_84] : memref<160x128xi32, #tpu.memory_space<vmem>> -> memref<1x128xi32, #tpu.memory_space<vmem>>
    %dma_wait3A_86 = tpu.memref_squeeze %dma_wait3A_85 : memref<1x128xi32, #tpu.memory_space<vmem>> -> memref<128xi32, #tpu.memory_space<vmem>>
    %dma_wait3A_87 = arith.constant 0 : i32
    %dma_wait3A_88 = arith.constant 0 : i32
    %dma_wait3A_89 = tpu.memref_slice %arg14[%dma_wait3A_87, %dma_wait3A_88] : memref<10240x64xf32, #tpu.memory_space<vmem_shared>> -> memref<10240x64xf32, #tpu.memory_space<vmem_shared>>
    tpu.wait_indirect_dma semaphore(%arg19 : memref<!tpu.dma_semaphore, #tpu.memory_space<semaphore_mem>>) src(%arg9 : memref<128x64xf32, #tpu.memory_space<vmem>>) dst(%dma_wait3A_89 : memref<10240x64xf32, #tpu.memory_space<vmem_shared>>)
    %dma_wait3A_90 = arith.constant 157 : i32
    %dma_wait3A_91 = arith.constant 0 : i32
    %dma_wait3A_92 = tpu.memref_slice %arg8[%dma_wait3A_90, %dma_wait3A_91] : memref<160x128xi32, #tpu.memory_space<vmem>> -> memref<1x128xi32, #tpu.memory_space<vmem>>
    %dma_wait3A_93 = tpu.memref_squeeze %dma_wait3A_92 : memref<1x128xi32, #tpu.memory_space<vmem>> -> memref<128xi32, #tpu.memory_space<vmem>>
    %dma_wait3A_94 = arith.constant 0 : i32
    %dma_wait3A_95 = arith.constant 0 : i32
    %dma_wait3A_96 = tpu.memref_slice %arg14[%dma_wait3A_94, %dma_wait3A_95] : memref<10240x64xf32, #tpu.memory_space<vmem_shared>> -> memref<10240x64xf32, #tpu.memory_space<vmem_shared>>
    tpu.wait_indirect_dma semaphore(%arg20 : memref<!tpu.dma_semaphore, #tpu.memory_space<semaphore_mem>>) src(%arg10 : memref<128x64xf32, #tpu.memory_space<vmem>>) dst(%dma_wait3A_96 : memref<10240x64xf32, #tpu.memory_space<vmem_shared>>)
    %dma_wait3A_97 = arith.constant 158 : i32
    %dma_wait3A_98 = arith.constant 0 : i32
    %dma_wait3A_99 = tpu.memref_slice %arg8[%dma_wait3A_97, %dma_wait3A_98] : memref<160x128xi32, #tpu.memory_space<vmem>> -> memref<1x128xi32, #tpu.memory_space<vmem>>
    %dma_wait3A_100 = tpu.memref_squeeze %dma_wait3A_99 : memref<1x128xi32, #tpu.memory_space<vmem>> -> memref<128xi32, #tpu.memory_space<vmem>>
    %dma_wait3A_101 = arith.constant 0 : i32
    %dma_wait3A_102 = arith.constant 0 : i32
    %dma_wait3A_103 = tpu.memref_slice %arg14[%dma_wait3A_101, %dma_wait3A_102] : memref<10240x64xf32, #tpu.memory_space<vmem_shared>> -> memref<10240x64xf32, #tpu.memory_space<vmem_shared>>
    tpu.wait_indirect_dma semaphore(%arg21 : memref<!tpu.dma_semaphore, #tpu.memory_space<semaphore_mem>>) src(%arg11 : memref<128x64xf32, #tpu.memory_space<vmem>>) dst(%dma_wait3A_103 : memref<10240x64xf32, #tpu.memory_space<vmem_shared>>)
    %dma_wait3A_104 = arith.constant 159 : i32
    %dma_wait3A_105 = arith.constant 0 : i32
    %dma_wait3A_106 = tpu.memref_slice %arg8[%dma_wait3A_104, %dma_wait3A_105] : memref<160x128xi32, #tpu.memory_space<vmem>> -> memref<1x128xi32, #tpu.memory_space<vmem>>
    %dma_wait3A_107 = tpu.memref_squeeze %dma_wait3A_106 : memref<1x128xi32, #tpu.memory_space<vmem>> -> memref<128xi32, #tpu.memory_space<vmem>>
    %dma_wait3A_108 = arith.constant 0 : i32
    %dma_wait3A_109 = arith.constant 0 : i32
    %dma_wait3A_110 = tpu.memref_slice %arg14[%dma_wait3A_108, %dma_wait3A_109] : memref<10240x64xf32, #tpu.memory_space<vmem_shared>> -> memref<10240x64xf32, #tpu.memory_space<vmem_shared>>
    tpu.wait_indirect_dma semaphore(%arg22 : memref<!tpu.dma_semaphore, #tpu.memory_space<semaphore_mem>>) src(%arg12 : memref<128x64xf32, #tpu.memory_space<vmem>>) dst(%dma_wait3A_110 : memref<10240x64xf32, #tpu.memory_space<vmem_shared>>)
    %barrier3A_111 = arith.constant 0 : index
    tpu.barrier barrier_id(%barrier3A_111)
    "tpu.region"() ({
      %run_scoped3A = tpu.sem_alloc : memref<!tpu.dma_semaphore, #tpu.memory_space<semaphore_mem>>
      %dma_start3A_112 = arith.constant 0 : i32
      %dma_start3A_113 = tpu.memref_slice %arg5[%arg0, %mul3A_21, %dma_start3A_112] : memref<2x10240x64xf32, #tpu.memory_space<hbm>> -> memref<1x640x64xf32, #tpu.memory_space<hbm>>
      %dma_start3A_114 = tpu.memref_squeeze %dma_start3A_113 : memref<1x640x64xf32, #tpu.memory_space<hbm>> -> memref<640x64xf32, #tpu.memory_space<hbm>>
      %dma_start3A_115 = arith.constant 0 : i32
      %dma_start3A_116 = tpu.memref_slice %arg14[%mul3A_21, %dma_start3A_115] : memref<10240x64xf32, #tpu.memory_space<vmem_shared>> -> memref<640x64xf32, #tpu.memory_space<vmem_shared>>
      tpu.enqueue_dma source(%dma_start3A_116 : memref<640x64xf32, #tpu.memory_space<vmem_shared>>) target(%dma_start3A_114 : memref<640x64xf32, #tpu.memory_space<hbm>>) target_semaphore(%run_scoped3A : memref<!tpu.dma_semaphore, #tpu.memory_space<semaphore_mem>>)
      %dma_wait3A_117 = arith.constant 0 : i32
      %dma_wait3A_118 = tpu.memref_slice %arg5[%arg0, %mul3A_21, %dma_wait3A_117] : memref<2x10240x64xf32, #tpu.memory_space<hbm>> -> memref<1x640x64xf32, #tpu.memory_space<hbm>>
      %dma_wait3A_119 = tpu.memref_squeeze %dma_wait3A_118 : memref<1x640x64xf32, #tpu.memory_space<hbm>> -> memref<640x64xf32, #tpu.memory_space<hbm>>
      %dma_wait3A_120 = arith.constant 0 : i32
      %dma_wait3A_121 = tpu.memref_slice %arg14[%mul3A_21, %dma_wait3A_120] : memref<10240x64xf32, #tpu.memory_space<vmem_shared>> -> memref<640x64xf32, #tpu.memory_space<vmem_shared>>
      tpu.wait_dma2 semaphore(%run_scoped3A : memref<!tpu.dma_semaphore, #tpu.memory_space<semaphore_mem>>) src(%dma_wait3A_121 : memref<640x64xf32, #tpu.memory_space<vmem_shared>>) dst(%dma_wait3A_119 : memref<640x64xf32, #tpu.memory_space<hbm>>)
      tpu.yield
    }) : () -> ()
    "tpu.region"() ({
      %run_scoped3A = tpu.sem_alloc : memref<!tpu.dma_semaphore, #tpu.memory_space<semaphore_mem>>
      %dma_start3A_112 = arith.constant 0 : i32
      %dma_start3A_113 = tpu.memref_slice %arg6[%arg0, %arg1, %dma_start3A_112] : memref<2x16x10240xf32, #tpu.memory_space<hbm>> -> memref<1x1x10240xf32, #tpu.memory_space<hbm>>
      %dma_start3A_114 = tpu.memref_squeeze %dma_start3A_113 : memref<1x1x10240xf32, #tpu.memory_space<hbm>> -> memref<10240xf32, #tpu.memory_space<hbm>>
      %dma_start3A_115 = arith.constant 0 : i32
      %dma_start3A_116 = tpu.memref_slice %arg6[%arg0, %arg1, %dma_start3A_115] : memref<2x16x10240xf32, #tpu.memory_space<hbm>> -> memref<1x1x10240xf32, #tpu.memory_space<hbm>>
      %dma_start3A_117 = tpu.memref_squeeze %dma_start3A_116 : memref<1x1x10240xf32, #tpu.memory_space<hbm>> -> memref<10240xf32, #tpu.memory_space<hbm>>
      tpu.enqueue_dma source(%arg13 : memref<10240xf32, #tpu.memory_space<vmem>>) target(%dma_start3A_117 : memref<10240xf32, #tpu.memory_space<hbm>>) target_semaphore(%run_scoped3A : memref<!tpu.dma_semaphore, #tpu.memory_space<semaphore_mem>>)
      %dma_wait3A_118 = arith.constant 0 : i32
      %dma_wait3A_119 = tpu.memref_slice %arg6[%arg0, %arg1, %dma_wait3A_118] : memref<2x16x10240xf32, #tpu.memory_space<hbm>> -> memref<1x1x10240xf32, #tpu.memory_space<hbm>>
      %dma_wait3A_120 = tpu.memref_squeeze %dma_wait3A_119 : memref<1x1x10240xf32, #tpu.memory_space<hbm>> -> memref<10240xf32, #tpu.memory_space<hbm>>
      %dma_wait3A_121 = arith.constant 0 : i32
      %dma_wait3A_122 = tpu.memref_slice %arg6[%arg0, %arg1, %dma_wait3A_121] : memref<2x16x10240xf32, #tpu.memory_space<hbm>> -> memref<1x1x10240xf32, #tpu.memory_space<hbm>>
      %dma_wait3A_123 = tpu.memref_squeeze %dma_wait3A_122 : memref<1x1x10240xf32, #tpu.memory_space<hbm>> -> memref<10240xf32, #tpu.memory_space<hbm>>
      tpu.wait_dma2 semaphore(%run_scoped3A : memref<!tpu.dma_semaphore, #tpu.memory_space<semaphore_mem>>) src(%arg13 : memref<10240xf32, #tpu.memory_space<vmem>>) dst(%dma_wait3A_123 : memref<10240xf32, #tpu.memory_space<hbm>>)
      tpu.yield
    }) : () -> ()
    return
  }
}

module attributes {stable_mosaic.version = 14 : i64} {
  func.func @body(%arg0: i32, %arg1: memref<2000x128xf32, #tpu.memory_space<vmem>>, %arg2: memref<128x128xf32, #tpu.memory_space<vmem>>, %arg3: memref<1x128xf32, #tpu.memory_space<vmem>>, %arg4: memref<1x128xf32, #tpu.memory_space<vmem>>, %arg5: memref<2000x128xf32, #tpu.memory_space<vmem>>) attributes {dimension_semantics = [#tpu.dimension_semantics<arbitrary>], iteration_bounds = array<i64: 5>, scalar_prefetch = 0 : i64, scratch_operands = 0 : i64, tpu.core_type = #tpu.core_type<tc>, window_params = [{transform_indices = @transform_0, window_bounds = array<i64: 2000, 128>}, {pipeline_mode = #tpu.pipeline_mode<synchronous>, transform_indices = @transform_1, window_bounds = array<i64: 128, 128>}, {pipeline_mode = #tpu.pipeline_mode<synchronous>, transform_indices = @transform_2, window_bounds = array<i64: 1, 128>}, {pipeline_mode = #tpu.pipeline_mode<synchronous>, transform_indices = @transform_3, window_bounds = array<i64: 1, 128>}, {transform_indices = @transform_4, window_bounds = array<i64: 2000, 128>}]} {
    %get3A = arith.constant 0 : index
    %get3A_0 = arith.constant 0 : index
    %get3A_1 = vector.load %arg1[%get3A, %get3A_0] : memref<2000x128xf32, #tpu.memory_space<vmem>>, vector<2000x128xf32>
    %get3A_2 = arith.constant 0 : index
    %get3A_3 = arith.constant 0 : index
    %get3A_4 = vector.load %arg2[%get3A_2, %get3A_3] : memref<128x128xf32, #tpu.memory_space<vmem>>, vector<128x128xf32>
    %dot_general3A = arith.constant dense<0.000000e+00> : vector<2000x128xf32>
    %dot_general3A_5 = tpu.matmul %get3A_1, %get3A_4, %dot_general3A {dimension_numbers = #tpu.dot_dimension_numbers<[1], [1], [0], [0], [0, 0, 1, 0], [], []>, transpose_lhs_hint = false} : vector<2000x128xf32>, vector<128x128xf32>, vector<2000x128xf32> -> vector<2000x128xf32>
    %get3A_6 = arith.constant 0 : index
    %get3A_7 = arith.constant 0 : index
    %get3A_8 = vector.load %arg3[%get3A_6, %get3A_7] : memref<1x128xf32, #tpu.memory_space<vmem>>, vector<1x128xf32>
    %add3A = vector.broadcast %get3A_8 : vector<1x128xf32> to vector<2000x128xf32>
    %add3A_9 = arith.addf %dot_general3A_5, %add3A : vector<2000x128xf32>
    %get3A_10 = arith.constant 0 : index
    %get3A_11 = arith.constant 0 : index
    %get3A_12 = vector.load %arg4[%get3A_10, %get3A_11] : memref<1x128xf32, #tpu.memory_space<vmem>>, vector<1x128xf32>
    %add3A_13 = vector.broadcast %get3A_12 : vector<1x128xf32> to vector<2000x128xf32>
    %add3A_14 = arith.addf %add3A_9, %add3A_13 : vector<2000x128xf32>
    %swap3A = arith.constant 0 : index
    %swap3A_15 = arith.constant 0 : index
    %swap3A_16 = vector.load %arg5[%swap3A, %swap3A_15] : memref<2000x128xf32, #tpu.memory_space<vmem>>, vector<2000x128xf32>
    tpu.vector_store %arg5[%swap3A, %swap3A_15], %add3A_14 {strides = array<i32>} : memref<2000x128xf32, #tpu.memory_space<vmem>>, vector<2000x128xf32>,
    return
  }
  func.func @transform_0(%arg0: i32) -> (i32, i32) {
    %c0_i32 = arith.constant 0 : i32
    %c0_i32_0 = arith.constant 0 : i32
    return %arg0, %c0_i32 : i32, i32
  }
  func.func @transform_1(%arg0: i32) -> (i32, i32) {
    %c0_i32 = arith.constant 0 : i32
    %c0_i32_0 = arith.constant 0 : i32
    %c0_i32_1 = arith.constant 0 : i32
    return %c0_i32, %c0_i32_0 : i32, i32
  }
  func.func @transform_2(%arg0: i32) -> (i32, i32) {
    %c0_i32 = arith.constant 0 : i32
    %c0_i32_0 = arith.constant 0 : i32
    %c0_i32_1 = arith.constant 0 : i32
    return %c0_i32, %c0_i32_0 : i32, i32
  }
  func.func @transform_3(%arg0: i32) -> (i32, i32) {
    %c0_i32 = arith.constant 0 : i32
    %c0_i32_0 = arith.constant 0 : i32
    %c0_i32_1 = arith.constant 0 : i32
    return %c0_i32, %c0_i32_0 : i32, i32
  }
  func.func @transform_4(%arg0: i32) -> (i32, i32) {
    %c0_i32 = arith.constant 0 : i32
    %c0_i32_0 = arith.constant 0 : i32
    return %arg0, %c0_i32 : i32, i32
  }
}

module attributes {stable_mosaic.version = 14 : i64} {
  func.func @body(%arg0: i32, %arg1: memref<2000x128xf32, #tpu.memory_space<vmem>>, %arg2: memref<2000x64xf32, #tpu.memory_space<vmem>>, %arg3: memref<2000x64xf32, #tpu.memory_space<vmem>>, %arg4: memref<2000x32xf32, #tpu.memory_space<vmem>>, %arg5: memref<128x64xf32, #tpu.memory_space<vmem>>, %arg6: memref<128x64xf32, #tpu.memory_space<vmem>>, %arg7: memref<2000x128xf32, #tpu.memory_space<vmem>>) attributes {dimension_semantics = [#tpu.dimension_semantics<arbitrary>], iteration_bounds = array<i64: 5>, scalar_prefetch = 0 : i64, scratch_operands = 0 : i64, tpu.core_type = #tpu.core_type<tc>, window_params = [{transform_indices = @transform_0, window_bounds = array<i64: 2000, 128>}, {transform_indices = @transform_1, window_bounds = array<i64: 2000, 64>}, {transform_indices = @transform_2, window_bounds = array<i64: 2000, 64>}, {transform_indices = @transform_3, window_bounds = array<i64: 2000, 32>}, {pipeline_mode = #tpu.pipeline_mode<synchronous>, transform_indices = @transform_4, window_bounds = array<i64: 128, 64>}, {pipeline_mode = #tpu.pipeline_mode<synchronous>, transform_indices = @transform_5, window_bounds = array<i64: 128, 64>}, {transform_indices = @transform_6, window_bounds = array<i64: 2000, 128>}]} {
    %get3A = arith.constant 0 : index
    %get3A_0 = arith.constant 0 : index
    %get3A_1 = vector.load %arg4[%get3A, %get3A_0] : memref<2000x32xf32, #tpu.memory_space<vmem>>, vector<2000x32xf32>
    %reduce_sum3A = arith.constant dense<0.000000e+00> : vector<2000xf32>
    %reduce_sum3A_2 = vector.multi_reduction <add>, %get3A_1, %reduce_sum3A [1] : vector<2000x32xf32> to vector<2000xf32>
    %broadcast_in_dim3A = vector.shape_cast %reduce_sum3A_2 : vector<2000xf32> to vector<2000x1xf32>
    %gt3A = arith.constant 0.000000e+00 : f32
    %gt3A_3 = vector.broadcast %gt3A : f32 to vector<2000x1xf32>
    %gt3A_4 = arith.cmpf ogt, %broadcast_in_dim3A, %gt3A_3 : vector<2000x1xf32>
    %max3A = arith.constant 1.000000e+00 : f32
    %max3A_5 = vector.broadcast %max3A : f32 to vector<2000x1xf32>
    %max3A_6 = arith.maximumf %broadcast_in_dim3A, %max3A_5 : vector<2000x1xf32>
    %div3A = arith.constant 1.000000e+00 : f32
    %div3A_7 = vector.broadcast %div3A : f32 to vector<2000x1xf32>
    %div3A_8 = arith.divf %div3A_7, %max3A_6 : vector<2000x1xf32>
    %jit3A = arith.constant 0.000000e+00 : f32
    %broadcast_in_dim3A_9 = vector.broadcast %jit3A : f32 to vector<2000x1xf32>
    %select_n3A = arith.select %gt3A_4, %div3A_8, %broadcast_in_dim3A_9 : vector<2000x1xi1>, vector<2000x1xf32>
    %get3A_10 = arith.constant 0 : index
    %get3A_11 = arith.constant 0 : index
    %get3A_12 = vector.load %arg2[%get3A_10, %get3A_11] : memref<2000x64xf32, #tpu.memory_space<vmem>>, vector<2000x64xf32>
    %mul3A = vector.broadcast %select_n3A : vector<2000x1xf32> to vector<2000x64xf32>
    %mul3A_13 = arith.mulf %get3A_12, %mul3A : vector<2000x64xf32>
    %get3A_14 = arith.constant 0 : index
    %get3A_15 = arith.constant 0 : index
    %get3A_16 = vector.load %arg3[%get3A_14, %get3A_15] : memref<2000x64xf32, #tpu.memory_space<vmem>>, vector<2000x64xf32>
    %mul3A_17 = vector.broadcast %select_n3A : vector<2000x1xf32> to vector<2000x64xf32>
    %mul3A_18 = arith.mulf %get3A_16, %mul3A_17 : vector<2000x64xf32>
    %get3A_19 = arith.constant 0 : index
    %get3A_20 = arith.constant 0 : index
    %get3A_21 = vector.load %arg1[%get3A_19, %get3A_20] : memref<2000x128xf32, #tpu.memory_space<vmem>>, vector<2000x128xf32>
    %get3A_22 = arith.constant 0 : index
    %get3A_23 = arith.constant 0 : index
    %get3A_24 = vector.load %arg5[%get3A_22, %get3A_23] : memref<128x64xf32, #tpu.memory_space<vmem>>, vector<128x64xf32>
    %dot_general3A = arith.constant dense<0.000000e+00> : vector<2000x128xf32>
    %dot_general3A_25 = tpu.matmul %mul3A_13, %get3A_24, %dot_general3A {dimension_numbers = #tpu.dot_dimension_numbers<[1], [1], [0], [0], [0, 0, 1, 0], [], []>, transpose_lhs_hint = false} : vector<2000x64xf32>, vector<128x64xf32>, vector<2000x128xf32> -> vector<2000x128xf32>
    %add3A = arith.addf %get3A_21, %dot_general3A_25 : vector<2000x128xf32>
    %get3A_26 = arith.constant 0 : index
    %get3A_27 = arith.constant 0 : index
    %get3A_28 = vector.load %arg6[%get3A_26, %get3A_27] : memref<128x64xf32, #tpu.memory_space<vmem>>, vector<128x64xf32>
    %dot_general3A_29 = arith.constant dense<0.000000e+00> : vector<2000x128xf32>
    %dot_general3A_30 = tpu.matmul %mul3A_18, %get3A_28, %dot_general3A_29 {dimension_numbers = #tpu.dot_dimension_numbers<[1], [1], [0], [0], [0, 0, 1, 0], [], []>, transpose_lhs_hint = false} : vector<2000x64xf32>, vector<128x64xf32>, vector<2000x128xf32> -> vector<2000x128xf32>
    %add3A_31 = arith.addf %add3A, %dot_general3A_30 : vector<2000x128xf32>
    %swap3A = arith.constant 0 : index
    %swap3A_32 = arith.constant 0 : index
    %swap3A_33 = vector.load %arg7[%swap3A, %swap3A_32] : memref<2000x128xf32, #tpu.memory_space<vmem>>, vector<2000x128xf32>
    tpu.vector_store %arg7[%swap3A, %swap3A_32], %add3A_31 {strides = array<i32>} : memref<2000x128xf32, #tpu.memory_space<vmem>>, vector<2000x128xf32>,
    return
  }
  func.func @transform_0(%arg0: i32) -> (i32, i32) {
    %c0_i32 = arith.constant 0 : i32
    %c0_i32_0 = arith.constant 0 : i32
    return %arg0, %c0_i32 : i32, i32
  }
  func.func @transform_1(%arg0: i32) -> (i32, i32) {
    %c0_i32 = arith.constant 0 : i32
    %c0_i32_0 = arith.constant 0 : i32
    return %arg0, %c0_i32 : i32, i32
  }
  func.func @transform_2(%arg0: i32) -> (i32, i32) {
    %c0_i32 = arith.constant 0 : i32
    %c0_i32_0 = arith.constant 0 : i32
    return %arg0, %c0_i32 : i32, i32
  }
  func.func @transform_3(%arg0: i32) -> (i32, i32) {
    %c0_i32 = arith.constant 0 : i32
    %c0_i32_0 = arith.constant 0 : i32
    return %arg0, %c0_i32 : i32, i32
  }
  func.func @transform_4(%arg0: i32) -> (i32, i32) {
    %c0_i32 = arith.constant 0 : i32
    %c0_i32_0 = arith.constant 0 : i32
    %c0_i32_1 = arith.constant 0 : i32
    return %c0_i32, %c0_i32_0 : i32, i32
  }
  func.func @transform_5(%arg0: i32) -> (i32, i32) {
    %c0_i32 = arith.constant 0 : i32
    %c0_i32_0 = arith.constant 0 : i32
    %c0_i32_1 = arith.constant 0 : i32
    return %c0_i32, %c0_i32_0 : i32, i32
  }
  func.func @transform_6(%arg0: i32) -> (i32, i32) {
    %c0_i32 = arith.constant 0 : i32
    %c0_i32_0 = arith.constant 0 : i32
    return %arg0, %c0_i32 : i32, i32
  }
}

</mosaic_0001>

<sc_bundles>
// kernel: kernel.5.cloned.1.call-start
scs
__scs_entry_jumppad:
0x0: {  	(pc) =	sbr.rel $0x88, $3  }
0x1: {  	(tag) =	ssettag $0x0;
	lr =	simm.s32 $0x1  }
0x2: {  	[smem:$0x3F9B] =	sst lr;
	_ =	strace $0xD0000000  }
0x3: {  	_ = 	snop  }
0x4: {  	_ = 	snop  }
0x5: {  	_ = 	snop  }
0x6: {  	_ = 	snop  }
0x7: {  	_ = 	snop  }
__scs_overlays_trampoline_lowered:
0x8: {  	[smem:$0x3FAA] =	sst s0  }
0x9: {  	[smem:$0x3FAB] =	sst s1  }
0xa: {  	[smem:$0x3FAC] =	sst s2  }
0xb: {  	[smem:$0x3FAD] =	sst s3  }
0xc: {  	[smem:$0x3FAE] =	sst s4  }
0xd: {  	[smem:$0x3FAF] =	sst s5  }
0xe: {  	[smem:$0x3FB0] =	sst s6  }
0xf: {  	[smem:$0x3FB1] =	sst s7  }
0x10: {  	[smem:$0x3FB2] =	sst s8  }
0x11: {  	[smem:$0x3FB3] =	sst s9;
	s0 =	simm.s32 @!p0 $0x0  }
0x12: {  	s1 =	sld [smem:$0x3F99];
	s0 =	simm.s32 @p0 $0x1  }
0x13: {  	[smem:$0x3FB4] =	sst s0;
	s0 =	simm.s32 @!p1 $0x0  }
0x14: {  	s2 =	sld [smem:$0x3F98];
	s0 =	simm.s32 @p1 $0x1  }
0x15: {  	[smem:$0x3FB5] =	sst s0;
	s0 =	simm.s32 @!p2 $0x0  }
0x16: {  	s3 =	sld [smem:$0x3FDB];
	s0 =	simm.s32 @p2 $0x1  }
0x17: {  	s4 =	simm.s32 $0x1BF5;
	[smem:$0x3FB7] =	sst s0  }
0x18: {  	s0 =	sld [smem:$0x3F9A];
	_ =	swait.ge [sflag:s4], $0x0  }
0x19: {  	s7 =	sld [smem:$0x3F9B]  }
0x1a: {  	s8 =	sadd.s32 $0xFFFFE003, lr  }
0x1b: {  	s9 =	sadd.s32 $0xFFFFFEF7, lr;
	s5 =	simm.s32 $0xFFFFFFFF;
	p2 =	slt.u32 s8, $0xFFFFF086  }
0x1c: {  	p1 =	slt.u32 s9, $0xF7A;
	s5 =	simm.s32 @!p2 $0x0  }
0x1d: {  	s5 =	simm.s32 @p1 $0x1;
	p0 =	seq.s32 s7, s2  }
0x1e: {  	s7 =	smul.u32 @!p0 $0xF7A, s2;
	p2 =	seq.s32 @!p0 s5, $0x0  }
0x1f: {  	s9 =	smul.u32 $0xF7A, s1;
	s8 =	simm.s32 @!p0 $0x1BF5;
	p2 =	por !p2, p0  }
0x20: {  	[sflag:s8] =	ssyncset.s32 @!p0 $0xFFFFF086;
	s6 =	sadd.s32 @!p0 s3, s7;
	s7 =	simm.s32 @!p0 $0x108  }
0x21: {  	s3 =	sadd.s32 s3, s9;
	s6 =	sadd.s32 @!p0 $0x88, s6;
	s7 =	simm.s32 @p2 $0x1082  }
0x22: {  	[simem:s7], [sflag:s8] =	dma.local @!p0 [hbm:s6], $0xF7A  }
0x23: {  	s9 =	sor.u32 $0xD0000000, s2;
	s6 =	simm.s32 $0x108;
	_ =	swait.ge @!p0 [sflag:s8], $0x0  }
0x24: {  	s3 =	sadd.s32 $0x88, s3;
	s6 =	simm.s32 @!p1 $0x1082;
	[sflag:s4] =	ssyncset.s32 $0xFFFFF086  }
0x25: {  	[simem:s6], [sflag:s4] =	dma.local [hbm:s3], $0xF7A  }
0x26: {  	[smem:$0x3F9B] =	sst s1;
	(tag) =	ssettag s2;
	_ =	strace s9  }
0x27: {  	s1 =	sld [smem:$0x3FAB]  }
0x28: {  	s2 =	sld [smem:$0x3FAC]  }
0x29: {  	s4 =	sld [smem:$0x3FAE]  }
0x2a: {  	p0 =	seq.s32 s5, $0x0;
	s5 =	sld [smem:$0x3FAF]  }
0x2b: {  	s6 =	sld [smem:$0x3FB0]  }
0x2c: {  	s7 =	sld [smem:$0x3FB1]  }
0x2d: {  	s3 =	simm.s32 $0x108;
	s8 =	sld [smem:$0x3FB2]  }
0x2e: {  	s3 =	simm.s32 @!p0 $0x1082;
	s9 =	sld [smem:$0x3FB3]  }
0x2f: {  	lr =	sadd.s32 s0, s3;
	s0 =	sld [smem:$0x3FAA]  }
0x30: {  	s3 =	sld [smem:$0x3FAD]  }
0x31: {  	[smem:$0x3FB6] =	sst s10  }
0x32: {  	s10 =	sld [smem:$0x3FB4];
	_ =	sdelay $0x3  }
0x33: {  	p0 =	seq.s32 s10, $0x1;
	s10 =	sld [smem:$0x3FB6];
	_ =	sdelay $0x3  }
0x34: {  	[smem:$0x3FB6] =	sst s10  }
0x35: {  	s10 =	sld [smem:$0x3FB5];
	_ =	sdelay $0x3  }
0x36: {  	p1 =	seq.s32 s10, $0x1;
	s10 =	sld [smem:$0x3FB6];
	_ =	sdelay $0x3  }
0x37: {  	[smem:$0x3FB6] =	sst s10  }
0x38: {  	s10 =	sld [smem:$0x3FB7]  }
0x39: {  	_ = 	snop;
	(pc) =	sbr.ind lr, $3  }
0x3a: {  	_ = 	snop  }
0x3b: {  	_ = 	snop  }
0x3c: {  	p2 =	seq.s32 s10, $0x1;
	s10 =	sld [smem:$0x3FB6]  }
0x3d: {  	_ =	shalt  }
0x3e: {  	_ =	shalt  }
0x3f: {  	_ =	shalt  }
0x40: {  	_ =	shalt  }
0x41: {  	_ =	shalt  }
0x42: {  	_ =	shalt  }
0x43: {  	_ =	shalt  }
0x44: {  	_ =	shalt  }
0x45: {  	_ =	shalt  }
0x46: {  	_ =	shalt  }
0x47: {  	_ =	shalt  }
0x48: {  	_ =	shalt  }
0x49: {  	_ =	shalt  }
0x4a: {  	_ =	shalt  }
0x4b: {  	_ =	shalt  }
0x4c: {  	_ =	shalt  }
0x4d: {  	_ =	shalt  }
0x4e: {  	_ =	shalt  }
0x4f: {  	_ =	shalt  }
0x50: {  	_ =	shalt  }
0x51: {  	_ =	shalt  }
0x52: {  	_ =	shalt  }
0x53: {  	_ =	shalt  }
0x54: {  	_ =	shalt  }
0x55: {  	_ =	shalt  }
0x56: {  	_ =	shalt  }
0x57: {  	_ =	shalt  }
0x58: {  	_ =	shalt  }
0x59: {  	_ =	shalt  }
0x5a: {  	_ =	shalt  }
0x5b: {  	_ =	shalt  }
0x5c: {  	_ =	shalt  }
0x5d: {  	_ =	shalt  }
0x5e: {  	_ =	shalt  }
0x5f: {  	_ =	shalt  }
0x60: {  	_ =	shalt  }
0x61: {  	_ =	shalt  }
0x62: {  	_ =	shalt  }
0x63: {  	_ =	shalt  }
0x64: {  	_ =	shalt  }
0x65: {  	_ =	shalt  }
0x66: {  	_ =	shalt  }
0x67: {  	_ =	shalt  }
0x68: {  	_ =	shalt  }
0x69: {  	_ =	shalt  }
0x6a: {  	_ =	shalt  }
0x6b: {  	_ =	shalt  }
0x6c: {  	_ =	shalt  }
0x6d: {  	_ =	shalt  }
0x6e: {  	_ =	shalt  }
0x6f: {  	_ =	shalt  }
0x70: {  	_ =	shalt  }
0x71: {  	_ =	shalt  }
0x72: {  	_ =	shalt  }
0x73: {  	_ =	shalt  }
0x74: {  	_ =	shalt  }
0x75: {  	_ =	shalt  }
0x76: {  	_ =	shalt  }
0x77: {  	_ =	shalt  }
0x78: {  	_ =	shalt  }
0x79: {  	_ =	shalt  }
0x7a: {  	_ =	shalt  }
0x7b: {  	_ =	shalt  }
0x7c: {  	_ =	shalt  }
0x7d: {  	_ =	shalt  }
0x7e: {  	_ =	shalt  }
0x7f: {  	_ =	shalt  }
0x80: {  	_ =	shalt  }
0x81: {  	_ =	shalt  }
0x82: {  	_ =	shalt  }
0x83: {  	_ =	shalt  }
0x84: {  	_ =	shalt  }
0x85: {  	_ =	shalt  }
0x86: {  	_ =	shalt  }
0x87: {  	_ =	shalt  }
.Lfunc_end0:
.L_simem_size_0:
called_computation_lowered:
.L_overlay_start_0:
0x88: {  	s2 =	sld [smem:$0x3FD9]  }
0x89: {  	s3 =	sld [smem:$0x3FFE];
	_ =	sdelay $0x1  }
0x8a: {  	s1 =	srdreg.scid  }
0x8b: {  	s0 =	sand.u32 $0x1, s1  }
0x8c: {  	s17 =	sshll.u32 s0, $0xA;
	s2 =	sadd.s32 s3, s2  }
0x8d: {  	s2 =	sadd.s32 s2, s17  }
0x8e: {  	[smem:$0x3FC2] =	sst s2  }
0x8f: {  	_ = 	snop  }
0x90: {  	s2 =	sld [smem:$0x3FD0];
	(tm) =	ssettm $0x1  }
0x91: {  	s18 =	sld [smem:$0x3FFB];
	_ =	sdelay $0x3  }
0x92: {  	_ =	strace s18  }
0x93: {  	s3 =	sld [smem:$0x3FFC];
	_ =	sdelay $0x3  }
0x94: {  	_ =	strace s3  }
0x95: {  	s3 =	sld [smem:$0x3FFD];
	_ =	sdelay $0x3  }
0x96: {  	_ =	strace s3  }
0x97: {  	_ =	strace $0x8FFFFFFF  }
0x98: {  	s19 =	sld [smem:$0x3FDB];
	_ =	sdelay $0x1  }
0x99: {  	s4 =	simm.s32 $_scs_section_size  }
0x9a: {  	s5 =	simm.s32 $_size__tile_overlayer_lowered;
	s6 =	simm.s32 $_tile_overlayer_lowered  }
0x9b: {  	s22 =	simm.s32 $0x1BFF;
	s21 =	sshll.u32 s6, $0x1;
	s3 =	sadd.s32 s4, s19  }
0x9c: {  	s7 =	simm.s32 $0x0;
	s20 =	sshll.u32 s5, $0x1;
	s5 =	sadd.s32 s21, s3  }
0x9d: {  	[timem:s7], [sflag:s22] =	dma.local [hbm:s5], s20  }
0x9e: {  	_ =	swait.ge [sflag:s22], s20  }
0x9f: {  	s4 =	ssub.s32 $0x0, s20;
	[sflag:s22] =	ssyncset.done $0x0  }
0xa0: {  	[sflag:s22] =	ssyncadd.s32 s4;
	_ =	sdelay $0x1  }
0xa1: {  	s23 =	simm.s32 $0x1B8B  }
0xa2: {  	_ =	swait.ge [sflag:s23], $0x1  }
0xa3: {  	[sflag:s23] =	ssyncset.done $0x0  }
0xa4: {  	s25 =	simm.s32 $0x1B8E;
	s24 =	sld [smem:$0x3FFE];
	[sflag:s23] =	ssyncadd.s32 $0xFFFFFFFF  }
0xa5: {  	s26 =	simm.s32 $execute0_lowered;
	[smem:$0x3FD2] =	sst s25  }
0xa6: {  	s5 =	sshll.u32 s26, $0x1;
	_ =	strace $0x80000046;
	[dreg:$0x1] =	wrdreg $0xFFFFFFFF  }
0xa7: {  	s28 =	simm.s32 $_size_execute0_lowered;
	s3 =	sadd.s32 s3, s5;
	[dreg:$0x0] =	wrdreg $0x0  }
0xa8: {  	s5 =	sshll.u32 s28, $0x1;
	[dreg:$0x2] =	wrdreg s3  }
0xa9: {  	[dreg:$0x3] =	wrdreg s5  }
0xaa: {  	[dreg:$0x4] =	wrdreg $0xC0  }
0xab: {  	_ =	task [dreg:s7], $0x5FFFF  }
0xac: {  	[dreg:$0x1] =	wrdreg $0xFFFFFFFF  }
0xad: {  	[dreg:$0x0] =	wrdreg $0x60  }
0xae: {  	[dreg:$0x2] =	wrdreg s2  }
0xaf: {  	[dreg:$0x3] =	wrdreg s24  }
0xb0: {  	[dreg:$0x4] =	wrdreg $0x148000  }
0xb1: {  	[dreg:$0x5] =	wrdreg $0x9  }
0xb2: {  	_ =	task.clear_ibuf [dreg:s7], $0x6FFFF;
	_ =	strace $0x90000046  }
0xb3: {  	s29 =	simm.s32 $0x9;
	_ =	strace $0x80000048  }
0xb4: {  	_ =	swait.ge [sflag:s29], $0x1  }
0xb5: {  	[sflag:s29] =	ssyncadd.s32 $0xFFFFFFFF  }
0xb6: {  	_ =	strace $0x90000048  }
0xb7: {  	_ =	sfence  }
0xb8: {  	s30 =	sld [smem:$0x0];
	_ =	sdelay $0x2  }
0xb9: {  	s31 =	sshll.u32 s1, $0xD;
	s1 =	sshrl.u32 s1, $0x2  }
0xba: {  	s3 =	sand.u32 $0x4000, s31;
	s1 =	sadd.s32 s1, s30  }
0xbb: {  	s0 =	sor.u32 s3, s0;
	s1 =	sshll.u32 s1, $0x11  }
0xbc: {  	s0 =	sor.u32 s1, s0  }
0xbd: {  	s0 =	sadd.s32 $0x8F2B, s0  }
0xbe: {  	[sflag:s0] =	ssyncadd.remote.s32 $0x1  }
0xbf: {  	_ =	sfence.sel $0xFFFF  }
0xc0: {  	[dreg:$0x0] =	wrdreg $0xFFFFFFFF;
	(pc) =	sbr.abs _section_cstart, $3  }
0xc1: {  	[dreg:$0x1] =	wrdreg $0xFFFFFFFF  }
0xc2: {  	_ =	task.clear_ibuf [dreg:s7], $0x2FFFF;
	_ =	strace $0x9FFFFFFF  }
0xc3: {  	(tm) =	ssettm $0x7FFFFFFF  }
tec
execute0_lowered:
.L_overlay_start_1:
0x0: {  	(tag) =	ssettag $0x1  }
0x1: {  	s12 =	stileid.u32  }
0x2: {  	s0 =	srdreg.scid;
	s1 =	rddreg [dreg:$0x0]  }
0x3: {  	s5 =	rddreg [dreg:$0x1];
	s4 =	smul.u32 $0xA00, s12  }
0x4: {  	s2 =	rddreg [dreg:$0x2];
	s9 =	smul.u32 $0xA000, s12  }
0x5: {  	s3 =	simm.s32 $0x0;
	s28 =	simm.s32 $0x3;
	s8 =	smul.u32 $0x2800, s12  }
0x6: {  	s29 =	simm.s32 $0x5;
	s0 =	sand.u32 $0x1, s0;
	s17 =	smul.u32 $0x28000, s12  }
0x7: {  	s30 =	simm.s32 $0x6;
	[smem:$0x7FF] =	sst s3;
	s6 =	smul.u32 $0xA0000, s0  }
0x8: {  	s31 =	simm.s32 $0x7;
	s7 =	smul.u32 $0x28000, s0;
	_ =	strace $0x80000047  }
0x9: {  	s15 =	ssub.s32 $0x2, s0;
	s19 =	smul.u32 $0x13880, s0;
	p0 =	seq.s32 s0, $0x0  }
0xa: {  	s10 =	sadd.s32 s4, s5;
	s16 =	sshrl.u32 s15, $0x1;
	s22 =	sshrl.u32 s17, $0x2  }
0xb: {  	s24 =	sadd.s32 s9, s2;
	s17 =	simm.s32 $0x9;
	s6 =	sadd.s32 s9, s6  }
0xc: {  	s14 =	sadd.s32 s8, s7;
	s20 =	sadd.s32 $0xBE00, s10;
	s21 =	sadd.s32 $0x1E00, s10  }
0xd: {  	s7 =	sadd.s32 s1, s19;
	s19 =	simm.s32 $0x2;
	s1 =	simm.s32 $0x8  }
0xe: {  	s13 =	sshrl.u32 s6, $0x3;
	s4 =	sshrl.u32 s14, $0x3;
	[dreg:$0x4] =	wrdreg s20  }
0xf: {  	[dreg:$0x5] =	wrdreg s21;
	s6 =	sadd.s32 s22, s2;
	s20 =	simm.s32 $0x80  }
0x10: {  	s21 =	simm.s32 $0xC000;
	s11 =	sadd.s32 s13, s5;
	s18 =	sadd.s32 s4, s5  }
0x11: {  	s13 =	ssub.s32 s15, s16;
	s12 =	sadd.s32 $0x4000, s6;
	s14 =	sadd.s32 $0x8000, s6  }
.Ltmp0:
0x12: {  	s16 =	simm.s32 $0xA000;
	s23 =	sadd.s32 $0x15E00, s11;
	(pc) =	sbr.rel .LBB2_1-.Ltmp0, $4  }
0x13: {  	s15 =	simm.s32 $0x0;
	s25 =	sadd.s32 $0x3DE00, s18;
	[dreg:$0x6] =	wrdreg s23  }
0x14: {  	s26 =	smax.u32 s13, $0x1;
	s11 =	sadd.s32 $0x2000, s6;
	[dreg:$0x7] =	wrdreg s25  }
0x15: {  	s13 =	sadd.s32 $0x6000, s6;
	s18 =	simm.s32 $0x1;
	[dreg:$0x8] =	wrdreg s26  }
0x16: {  	v0 =	vimm.f32 $0.0e+00;
	s23 =	simm.s32 $0xE000;
	s25 =	sshrl.u32 s24, $0x3;
	s26 =	simm.s32 $0x10000  }
.LBB2_8:
0x17: {  	_ =	swait.ge [sflag:s30], $0x2000  }
0x18: {  	[sflag:s30] =	ssyncset.done $0x0  }
0x19: {  	[sflag:s30] =	ssyncadd.s32 $0xFFFFE000  }
0x1a: {  	_ =	swait.ge [sflag:s31], $0x2000  }
0x1b: {  	[sflag:s31] =	ssyncset.done $0x0  }
0x1c: {  	[sflag:s31] =	ssyncadd.s32 $0xFFFFE000  }
0x1d: {  	_ =	swait.ge [sflag:s1], $0x2000  }
0x1e: {  	[sflag:s1] =	ssyncset.done $0x0  }
0x1f: {  	s0 =	stileid.u32;
	[sflag:s1] =	ssyncadd.s32 $0xFFFFE000  }
0x20: {  	s0 =	sshll.u32 s0, $0x6;
	[bflag:$0x0] =	sbarrier.arrive $0xFFFF  }
0x21: {  	s0 =	sor.u32 $0x1C09, s0;
	s4 =	rddreg [dreg:$0x6]  }
0x22: {  	[hbm:s4], [sflag:s0] =	dma.local [spmem:s25], $0x1400  }
0x23: {  	_ =	swait.ge [sflag:s17], $0x1400  }
0x24: {  	[sflag:s17] =	ssyncset.done $0x0  }
0x25: {  	s22 =	simm.s32 $0x12000;
	s10 =	rddreg [dreg:$0x7];
	[sflag:s17] =	ssyncadd.s32 $0xFFFFEC00  }
0x26: {  	[hbm4b:s10+s3] =	stream.linear.scatter [tilespmem:s22], [sflag:$0x9], $0x2800, $0x38;
	[tilespmem:$0x1E800] =	vst v63  }
0x27: {  	_ =	swait.ge [sflag:s17], $0x2800  }
0x28: {  	s15 =	sadd.s32 $0x1, s15;
	s24 =	rddreg [dreg:$0x8]  }
0x29: {  	p1 =	sne.s32 s15, s24  }
.Ltmp1:
0x2a: {  	_ = 	snop;
	(pc) =	sbr.rel @!p1 .LBB2_9-.Ltmp1, $3  }
0x2b: {  	_ =	sdelay $0x1  }
0x2c: {  	[sflag:s17] =	ssyncset.done $0x0  }
0x2d: {  	[sflag:s17] =	ssyncadd.s32 $0xFFFFD800  }
.LBB2_1:
0x2e: {  	s0 =	rddreg [dreg:$0x4]  }
0x2f: {  	[tilespmem:s3], [sflag:$0x1] =	stream.linear.gather [hbm4b:s0+s3], $0x5000, $0x38;
	[tilespmem:$0x1E800] =	vst v63  }
0x30: {  	s24 =	rddreg [dreg:$0x5];
	s4 =	simm.s32 $0x5000;
	s0 =	simm.s32 $0x0  }
0x31: {  	[tilespmem:s4], [sflag:$0x2] =	stream.linear.gather [hbm4b:s24+s3], $0x5000, $0x38;
	[tilespmem:$0x1E800] =	vst v63  }
.LBB2_2:
0x32: {  	p1 =	sne.s32 s0, $0x9FC0  }
.Ltmp2:
0x33: {  	_ = 	snop;
	(pc) =	sbr.rel @p1 .LBB2_2-.Ltmp2, $3  }
0x34: {  	_ =	sdelay $0x1  }
0x35: {  	s22 =	sshra.s32 s0, $0x2  }
0x36: {  	s0 =	sadd.s32 $0x40, s0;
	[tilespmem:s22+$0x12000] =	vst v0  }
0x37: {  	s22 =	simm.s32 $0x100;
	s0 =	simm.s32 $0x0  }
.LBB2_4:
0x38: {  	p1 =	sne.s32 s22, $0x7F00;
	[tilespmem:s0+$0xA030] =	vst v0;
	s24 =	smov.u32 s22;
	s22 =	sadd.s32 $0x100, s22  }
.Ltmp3:
0x39: {  	[tilespmem:s0+$0xA020] =	vst v0;
	(pc) =	sbr.rel @p1 .LBB2_4-.Ltmp3, $3  }
0x3a: {  	[tilespmem:s0+$0xA000] =	vst v0  }
0x3b: {  	[tilespmem:s0+$0xA010] =	vst v0;
	_ =	sdelay $0x1  }
0x3c: {  	s0 =	sshra.s32 s24, $0x2  }
0x3d: {  	[tilespmem:s0+$0xA030] =	vst v0  }
0x3e: {  	[tilespmem:s0+$0xA020] =	vst v0  }
0x3f: {  	[tilespmem:s0+$0xA000] =	vst v0  }
0x40: {  	[tilespmem:s0+$0xA010] =	vst v0  }
0x41: {  	[spmem:s6] =	stream.linear.scatter [tilespmem:s16], [sflag:$0x9], $0x2000, $0x38;
	[tilespmem:$0x1E800] =	vst v63  }
0x42: {  	_ =	swait.ge [sflag:s17], $0x2000  }
0x43: {  	[sflag:s17] =	ssyncset.done $0x0  }
0x44: {  	[sflag:s17] =	ssyncadd.s32 $0xFFFFE000  }
0x45: {  	[spmem:s11] =	stream.linear.scatter [tilespmem:s16], [sflag:$0x9], $0x2000, $0x38;
	[tilespmem:$0x1E800] =	vst v63  }
0x46: {  	_ =	swait.ge [sflag:s17], $0x2000  }
0x47: {  	[sflag:s17] =	ssyncset.done $0x0  }
0x48: {  	[sflag:s17] =	ssyncadd.s32 $0xFFFFE000  }
0x49: {  	[spmem:s12] =	stream.linear.scatter [tilespmem:s16], [sflag:$0x9], $0x2000, $0x38;
	[tilespmem:$0x1E800] =	vst v63  }
0x4a: {  	_ =	swait.ge [sflag:s17], $0x2000  }
0x4b: {  	[sflag:s17] =	ssyncset.done $0x0  }
0x4c: {  	[sflag:s17] =	ssyncadd.s32 $0xFFFFE000  }
0x4d: {  	[spmem:s13] =	stream.linear.scatter [tilespmem:s16], [sflag:$0x9], $0x2000, $0x38;
	[tilespmem:$0x1E800] =	vst v63  }
0x4e: {  	_ =	swait.ge [sflag:s17], $0x2000  }
0x4f: {  	[sflag:s17] =	ssyncset.done $0x0  }
0x50: {  	[sflag:s17] =	ssyncadd.s32 $0xFFFFE000  }
0x51: {  	[spmem:s14] =	stream.linear.scatter [tilespmem:s16], [sflag:$0x9], $0x2000, $0x38;
	[tilespmem:$0x1E800] =	vst v63  }
0x52: {  	_ =	swait.ge [sflag:s17], $0x2000  }
0x53: {  	[sflag:s17] =	ssyncset.done $0x0  }
0x54: {  	[sflag:s17] =	ssyncadd.s32 $0xFFFFE000  }
0x55: {  	[bflag:$0x0] =	sbarrier.arrive $0xFFFF  }
0x56: {  	_ =	swait.ge [sflag:s18], $0x5000  }
0x57: {  	[sflag:s18] =	ssyncset.done $0x0  }
0x58: {  	[sflag:s18] =	ssyncadd.s32 $0xFFFFB000  }
0x59: {  	_ =	swait.ge [sflag:s19], $0x5000  }
0x5a: {  	[sflag:s19] =	ssyncset.done $0x0  }
0x5b: {  	s22 =	simm.s32 $0x0;
	[sflag:s19] =	ssyncadd.s32 $0xFFFFB000  }
0x5c: {  	[tilespmem:s16], [sflag:$0x1] =	stream.indirect.gather [hbm4b:s7+s20], $0x40, s22, s20, $0xb8;
	[tilespmem:$0x1E800] =	vst v63  }
0x5d: {  	_ = 	snop  }
0x5e: {  	[tilespmem:s21], [sflag:$0x2] =	stream.indirect.gather [hbm4b:s7+s20], $0x40, s20, s20, $0xb8;
	[tilespmem:$0x1E800] =	vst v63  }
0x5f: {  	s10 =	simm.s32 $0x100  }
0x60: {  	[tilespmem:s23], [sflag:$0x3] =	stream.indirect.gather [hbm4b:s7+s20], $0x40, s10, s20, $0xb8;
	[tilespmem:$0x1E800] =	vst v63  }
0x61: {  	s24 =	simm.s32 $0x180  }
0x62: {  	[tilespmem:s26], [sflag:$0x4] =	stream.indirect.gather [hbm4b:s7+s20], $0x40, s24, s20, $0xb8;
	[tilespmem:$0x1E800] =	vst v63  }
0x63: {  	s24 =	simm.s32 $0x0  }
.LBB2_6:
0x64: {  	_ =	swait.ge [sflag:s18], $0x2000  }
0x65: {  	s0 =	sshra.s32 s22, $0x2;
	[sflag:s18] =	ssyncset.done $0x0  }
0x66: {  	s4 =	sadd.s32 $0x5000, s0;
	[sflag:s18] =	ssyncadd.s32 $0xFFFFE000  }
0x67: {  	[spmem:s2] =	stream.indirect.scatter.add.f32 [tilespmem:s16], [sflag:$0x5], $0x40, s4, s20, $0xb8;
	[tilespmem:$0x1E800] =	vst v63  }
0x68: {  	p1 =	sgt.u32 s24, $0x13;
	s5 =	simm.s32 $0x1;
	s4 =	simm.s32 $0x1  }
0x69: {  	s5 =	simm.s32 @!p0 $0x0;
	s4 =	simm.s32 @!p1 $0x0  }
0x6a: {  	p2 =	seq.s32 s5, s4  }
0x6b: {  	s4 =	simm.s32 @p2 $0x2  }
0x6c: {  	_ =	swait.ge @p2 [sflag:s4], $0x2000  }
0x6d: {  	[sflag:s4] =	ssyncset.done @p2 $0x0  }
0x6e: {  	[sflag:s4] =	ssyncadd.s32 @p2 $0xFFFFE000;
	s4 =	sshra.s32 @p2 s22, $0x2  }
0x6f: {  	s5 =	simm.s32 @p2 $0x80;
	s8 =	simm.s32 @p2 $0xC000;
	s4 =	sadd.s32 @p2 $0x5080, s4  }
0x70: {  	[spmem:s2] =	stream.indirect.scatter.add.f32 @p2 [tilespmem:s8], [sflag:$0x6], $0x40, s4, s5, $0xb8;
	[tilespmem:$0x1E800] =	vst v63  }
0x71: {  	s4 =	sshra.s32 @!p2 s22, $0x2  }
0x72: {  	v1 =	vld @!p2 [tilespmem:s4+$0x5000];
	_ =	sdelay $0x6  }
0x73: {  	v2 =	vimm.f32 @!p2 $1.000000000e+00;
	s5 =	simm.s32 @!p2 $0x12000  }
0x74: {  	[tilespmem:v1+s5+$0x0] =	vst.idx.add.f32.msk @!p2 $0xffff, v2  }
0x75: {  	v1 =	vld @!p2 [tilespmem:s4+$0x5010];
	_ =	sdelay $0x7  }
0x76: {  	[tilespmem:v1+s5+$0x0] =	vst.idx.add.f32.msk @!p2 $0xffff, v2  }
0x77: {  	v1 =	vld @!p2 [tilespmem:s4+$0x5020];
	_ =	sdelay $0x7  }
0x78: {  	[tilespmem:v1+s5+$0x0] =	vst.idx.add.f32.msk @!p2 $0xffff, v2  }
0x79: {  	v1 =	vld @!p2 [tilespmem:s4+$0x5030];
	_ =	sdelay $0x7  }
0x7a: {  	[tilespmem:v1+s5+$0x0] =	vst.idx.add.f32.msk @!p2 $0xffff, v2  }
0x7b: {  	v1 =	vld @!p2 [tilespmem:s4+$0x5040];
	_ =	sdelay $0x7  }
0x7c: {  	[tilespmem:v1+s5+$0x0] =	vst.idx.add.f32.msk @!p2 $0xffff, v2  }
0x7d: {  	v1 =	vld @!p2 [tilespmem:s4+$0x5050];
	_ =	sdelay $0x7  }
0x7e: {  	[tilespmem:v1+s5+$0x0] =	vst.idx.add.f32.msk @!p2 $0xffff, v2  }
0x7f: {  	v1 =	vld @!p2 [tilespmem:s4+$0x5060];
	_ =	sdelay $0x7  }
0x80: {  	[tilespmem:v1+s5+$0x0] =	vst.idx.add.f32.msk @!p2 $0xffff, v2  }
0x81: {  	v1 =	vld @!p2 [tilespmem:s4+$0x5070];
	_ =	sdelay $0x7  }
0x82: {  	s8 =	simm.s32 @!p2 $0x2;
	[tilespmem:v1+s5+$0x0] =	vst.idx.add.f32.msk @!p2 $0xffff, v2  }
0x83: {  	_ =	swait.ge @!p2 [sflag:s8], $0x2000  }
0x84: {  	s9 =	simm.s32 @!p2 $0x80;
	[sflag:s8] =	ssyncset.done @!p2 $0x0  }
0x85: {  	s10 =	simm.s32 @!p2 $0xC000;
	[sflag:s8] =	ssyncadd.s32 @!p2 $0xFFFFE000;
	s8 =	sadd.s32 @!p2 $0x5080, s4  }
0x86: {  	[spmem:s2] =	stream.indirect.scatter.add.f32 @!p2 [tilespmem:s10], [sflag:$0x6], $0x40, s8, s9, $0xb8;
	[tilespmem:$0x1E800] =	vst v63  }
0x87: {  	v1 =	vld @!p2 [tilespmem:s4+$0x5080];
	_ =	sdelay $0x7  }
0x88: {  	[tilespmem:v1+s5+$0x0] =	vst.idx.add.f32.msk @!p2 $0xffff, v2  }
0x89: {  	v1 =	vld @!p2 [tilespmem:s4+$0x5090];
	_ =	sdelay $0x7  }
0x8a: {  	[tilespmem:v1+s5+$0x0] =	vst.idx.add.f32.msk @!p2 $0xffff, v2  }
0x8b: {  	v1 =	vld @!p2 [tilespmem:s4+$0x50A0];
	_ =	sdelay $0x7  }
0x8c: {  	[tilespmem:v1+s5+$0x0] =	vst.idx.add.f32.msk @!p2 $0xffff, v2  }
0x8d: {  	v1 =	vld @!p2 [tilespmem:s4+$0x50B0];
	_ =	sdelay $0x7  }
0x8e: {  	[tilespmem:v1+s5+$0x0] =	vst.idx.add.f32.msk @!p2 $0xffff, v2  }
0x8f: {  	v1 =	vld @!p2 [tilespmem:s4+$0x50C0];
	_ =	sdelay $0x7  }
0x90: {  	[tilespmem:v1+s5+$0x0] =	vst.idx.add.f32.msk @!p2 $0xffff, v2  }
0x91: {  	v1 =	vld @!p2 [tilespmem:s4+$0x50D0];
	_ =	sdelay $0x7  }
0x92: {  	[tilespmem:v1+s5+$0x0] =	vst.idx.add.f32.msk @!p2 $0xffff, v2  }
0x93: {  	v1 =	vld @!p2 [tilespmem:s4+$0x50E0];
	_ =	sdelay $0x7  }
0x94: {  	[tilespmem:v1+s5+$0x0] =	vst.idx.add.f32.msk @!p2 $0xffff, v2  }
0x95: {  	v1 =	vld @!p2 [tilespmem:s4+$0x50F0];
	_ =	sdelay $0x7  }
0x96: {  	[tilespmem:v1+s5+$0x0] =	vst.idx.add.f32.msk @!p2 $0xffff, v2  }
0x97: {  	p2 =	por !p1, !p1;
	_ =	swait.ge [sflag:s28], $0x2000  }
0x98: {  	p2 =	por @!p0 p1, p1;
	[sflag:s28] =	ssyncset.done $0x0  }
0x99: {  	s10 =	sadd.s32 $0x5100, s0;
	s4 =	simm.s32 @!p2 $0x4;
	[sflag:s28] =	ssyncadd.s32 $0xFFFFE000  }
0x9a: {  	[spmem:s2] =	stream.indirect.scatter.add.f32 [tilespmem:s23], [sflag:$0x7], $0x40, s10, s20, $0xb8;
	[tilespmem:$0x1E800] =	vst v63  }
0x9b: {  	_ =	swait.ge @!p2 [sflag:s4], $0x2000  }
0x9c: {  	[sflag:s4] =	ssyncset.done @!p2 $0x0  }
0x9d: {  	[sflag:s4] =	ssyncadd.s32 @!p2 $0xFFFFE000;
	s4 =	sshra.s32 @!p2 s22, $0x2  }
0x9e: {  	s5 =	simm.s32 @!p2 $0x80;
	s8 =	simm.s32 @!p2 $0x10000;
	s4 =	sadd.s32 @!p2 $0x5180, s4  }
0x9f: {  	[spmem:s2] =	stream.indirect.scatter.add.f32 @!p2 [tilespmem:s8], [sflag:$0x8], $0x40, s4, s5, $0xb8;
	[tilespmem:$0x1E800] =	vst v63  }
0xa0: {  	v1 =	vld @p2 [tilespmem:s0+$0x5100];
	_ =	sdelay $0x6  }
0xa1: {  	v2 =	vimm.f32 @p2 $1.000000000e+00;
	s4 =	simm.s32 @p2 $0x12000  }
0xa2: {  	s5 =	sshra.s32 @p2 s22, $0x2;
	[tilespmem:v1+s4+$0x0] =	vst.idx.add.f32.msk @p2 $0xffff, v2  }
0xa3: {  	v1 =	vld @p2 [tilespmem:s5+$0x5110];
	_ =	sdelay $0x7  }
0xa4: {  	[tilespmem:v1+s4+$0x0] =	vst.idx.add.f32.msk @p2 $0xffff, v2  }
0xa5: {  	v1 =	vld @p2 [tilespmem:s5+$0x5120];
	_ =	sdelay $0x7  }
0xa6: {  	[tilespmem:v1+s4+$0x0] =	vst.idx.add.f32.msk @p2 $0xffff, v2  }
0xa7: {  	v1 =	vld @p2 [tilespmem:s5+$0x5130];
	_ =	sdelay $0x7  }
0xa8: {  	[tilespmem:v1+s4+$0x0] =	vst.idx.add.f32.msk @p2 $0xffff, v2  }
0xa9: {  	v1 =	vld @p2 [tilespmem:s5+$0x5140];
	_ =	sdelay $0x7  }
0xaa: {  	[tilespmem:v1+s4+$0x0] =	vst.idx.add.f32.msk @p2 $0xffff, v2  }
0xab: {  	v1 =	vld @p2 [tilespmem:s5+$0x5150];
	_ =	sdelay $0x7  }
0xac: {  	[tilespmem:v1+s4+$0x0] =	vst.idx.add.f32.msk @p2 $0xffff, v2  }
0xad: {  	v1 =	vld @p2 [tilespmem:s5+$0x5160];
	_ =	sdelay $0x7  }
0xae: {  	[tilespmem:v1+s4+$0x0] =	vst.idx.add.f32.msk @p2 $0xffff, v2  }
0xaf: {  	v1 =	vld @p2 [tilespmem:s5+$0x5170];
	_ =	sdelay $0x7  }
0xb0: {  	s8 =	simm.s32 @p2 $0x4;
	[tilespmem:v1+s4+$0x0] =	vst.idx.add.f32.msk @p2 $0xffff, v2  }
0xb1: {  	_ =	swait.ge @p2 [sflag:s8], $0x2000  }
0xb2: {  	s9 =	simm.s32 @p2 $0x80;
	[sflag:s8] =	ssyncset.done @p2 $0x0  }
0xb3: {  	s10 =	simm.s32 @p2 $0x10000;
	[sflag:s8] =	ssyncadd.s32 @p2 $0xFFFFE000;
	s8 =	sadd.s32 @p2 $0x5180, s5  }
0xb4: {  	[spmem:s2] =	stream.indirect.scatter.add.f32 @p2 [tilespmem:s10], [sflag:$0x8], $0x40, s8, s9, $0xb8;
	[tilespmem:$0x1E800] =	vst v63  }
0xb5: {  	v1 =	vld @p2 [tilespmem:s5+$0x5180];
	_ =	sdelay $0x7  }
0xb6: {  	[tilespmem:v1+s4+$0x0] =	vst.idx.add.f32.msk @p2 $0xffff, v2  }
0xb7: {  	v1 =	vld @p2 [tilespmem:s5+$0x5190];
	_ =	sdelay $0x7  }
0xb8: {  	[tilespmem:v1+s4+$0x0] =	vst.idx.add.f32.msk @p2 $0xffff, v2  }
0xb9: {  	v1 =	vld @p2 [tilespmem:s5+$0x51A0];
	_ =	sdelay $0x7  }
0xba: {  	[tilespmem:v1+s4+$0x0] =	vst.idx.add.f32.msk @p2 $0xffff, v2  }
0xbb: {  	v1 =	vld @p2 [tilespmem:s5+$0x51B0];
	_ =	sdelay $0x7  }
0xbc: {  	[tilespmem:v1+s4+$0x0] =	vst.idx.add.f32.msk @p2 $0xffff, v2  }
0xbd: {  	v1 =	vld @p2 [tilespmem:s5+$0x51C0];
	_ =	sdelay $0x7  }
0xbe: {  	[tilespmem:v1+s4+$0x0] =	vst.idx.add.f32.msk @p2 $0xffff, v2  }
0xbf: {  	v1 =	vld @p2 [tilespmem:s5+$0x51D0];
	_ =	sdelay $0x7  }
0xc0: {  	[tilespmem:v1+s4+$0x0] =	vst.idx.add.f32.msk @p2 $0xffff, v2  }
0xc1: {  	v1 =	vld @p2 [tilespmem:s5+$0x51E0];
	_ =	sdelay $0x7  }
0xc2: {  	[tilespmem:v1+s4+$0x0] =	vst.idx.add.f32.msk @p2 $0xffff, v2  }
0xc3: {  	v1 =	vld @p2 [tilespmem:s5+$0x51F0];
	_ =	sdelay $0x5  }
0xc4: {  	p1 =	seq.s32 s22, $0x13800  }
.Ltmp4:
0xc5: {  	_ = 	snop;
	(pc) =	sbr.rel @p1 .LBB2_8-.Ltmp4, $4  }
0xc6: {  	[tilespmem:v1+s4+$0x0] =	vst.idx.add.f32.msk @p2 $0xffff, v2  }
0xc7: {  	_ =	swait.ge [sflag:s29], $0x2000  }
0xc8: {  	[sflag:s29] =	ssyncset.done $0x0  }
0xc9: {  	[sflag:s29] =	ssyncadd.s32 $0xFFFFE000  }
0xca: {  	s4 =	sadd.s32 $0x200, s0  }
0xcb: {  	[tilespmem:s16], [sflag:$0x1] =	stream.indirect.gather [hbm4b:s7+s20], $0x40, s4, s20, $0xb8;
	[tilespmem:$0x1E800] =	vst v63  }
0xcc: {  	_ =	swait.ge [sflag:s30], $0x2000  }
0xcd: {  	[sflag:s30] =	ssyncset.done $0x0  }
0xce: {  	s8 =	sadd.s32 $0x280, s0;
	[sflag:s30] =	ssyncadd.s32 $0xFFFFE000  }
0xcf: {  	[tilespmem:s21], [sflag:$0x2] =	stream.indirect.gather [hbm4b:s7+s20], $0x40, s8, s20, $0xb8;
	[tilespmem:$0x1E800] =	vst v63  }
0xd0: {  	_ =	swait.ge [sflag:s31], $0x2000  }
0xd1: {  	[sflag:s31] =	ssyncset.done $0x0  }
0xd2: {  	s9 =	sadd.s32 $0x300, s0;
	[sflag:s31] =	ssyncadd.s32 $0xFFFFE000  }
0xd3: {  	[tilespmem:s23], [sflag:$0x3] =	stream.indirect.gather [hbm4b:s7+s20], $0x40, s9, s20, $0xb8;
	[tilespmem:$0x1E800] =	vst v63  }
.Ltmp5:
0xd4: {  	_ = 	snop;
	(pc) =	sbr.rel .LBB2_6-.Ltmp5, $4  }
0xd5: {  	_ =	swait.ge [sflag:s1], $0x2000  }
0xd6: {  	s10 =	sadd.s32 $0x380, s0;
	[sflag:s1] =	ssyncset.done $0x0  }
0xd7: {  	s24 =	sadd.s32 $0x1, s24;
	s22 =	sadd.s32 $0x800, s22;
	[sflag:s1] =	ssyncadd.s32 $0xFFFFE000  }
0xd8: {  	[tilespmem:s26], [sflag:$0x4] =	stream.indirect.gather [hbm4b:s7+s20], $0x40, s10, s20, $0xb8;
	[tilespmem:$0x1E800] =	vst v63  }
.LBB2_9:
0xd9: {  	_ =	sfence.sel $0x180000  }
0xda: {  	[bflag:$0x0] =	sbarrier.arrive $0xFFFF  }
0xdb: {  	_ =	strace $0x90000047  }
0xdc: {  	s0 =	stileid.u32;
	[bflag:$0x2] =	sbarrier.arrive $0xFFFF  }
0xdd: {  	p0 =	sne.s32 s0, $0x0;
	s0 =	rddreg [dreg:$0x3]  }
0xde: {  	s0 =	sadd.s32 @!p0 $0x100000, s0  }
0xdf: {  	[sflag:s0] =	ssyncadd.tile.s32 @!p0 $0x1;
	_ =	shalt  }
.Lfunc_end2:
_tile_overlayer_lowered:
.L_overlay_start_2:
0xe0: {  	(tag) =	ssettag $0x2  }
0xe1: {  	s0 =	rddreg [dreg:$0x0];
	s2 =	stileid.u32  }
0xe2: {  	s1 =	rddreg [dreg:$0x1];
	p0 =	sne.s32 s2, $0x0  }
0xe3: {  	s3 =	rddreg [dreg:$0x2];
	[bflag:$0x3] =	sbarrier.arrive $0xFFFF;
	s2 =	simm.s32 @!p0 $0x1C09  }
0xe4: {  	[timem:s3], [sflag:s2] =	dma.local @!p0 [hbm:s0], s1  }
0xe5: {  	s0 =	simm.s32 @!p0 $0x9  }
0xe6: {  	_ =	swait.ge @!p0 [sflag:s0], s1  }
0xe7: {  	s1 =	ssub.s32 @!p0 $0x0, s1;
	[sflag:s0] =	ssyncset.done @!p0 $0x0  }
0xe8: {  	[sflag:s0] =	ssyncadd.s32 @!p0 s1  }
0xe9: {  	[bflag:$0x3] =	sbarrier.arrive $0xFFFF  }
0xea: {  	_ =	shalt  }

</sc_bundles>
